<compile_context>
chip_gen: v7x
topology: tpu7x:2x2x1
jax: 0.10.2.dev20260603
libtpu: 0.0.44.dev20260713+nightly
codegen_flags: <defaults>
</compile_context>

<pallas_src>
import functools

import jax
import jax.numpy as jnp
from jax import lax
from jax.experimental import pallas as pl
from jax.experimental.pallas import tpu as pltpu
from jax.experimental.pallas import tpu_sc as plsc

_WH = 32
_NBUF = 6


def _window_metadata(I, H, W, NCK, CHW, NJ, NJP):
    Ic = I.reshape(NCK, CHW)
    first = Ic[:, ::16]
    last = Ic[:, 15::16]
    WSEG = _WH * W
    v_lo = Ic[:, 0] // WSEG
    v_hi = Ic[:, -1] // WSEG
    nw = (v_hi - v_lo + 1).astype(jnp.int32)
    h0 = (v_lo * _WH).astype(jnp.int32)
    j = jnp.arange(NJ, dtype=jnp.int32)
    b = (v_lo[:, None] + j[None, :]) * WSEG

    def count_lt(arr, q):
        return jnp.sum(
            arr[:, None, :] < q[:, :, None], axis=-1, dtype=jnp.int32
        )

    gs = count_lt(last, b)
    gsi = count_lt(first, b)
    gei = count_lt(last, b + WSEG)
    ge = count_lt(first, b + WSEG)
    valid = j[None, :] < nw[:, None]
    z = jnp.zeros_like(gs)
    lanes = [
        jnp.where(valid, gs, 0),
        jnp.where(valid, gsi, 0),
        jnp.where(valid, gei, 0),
        jnp.where(valid, ge, 0),
        jnp.broadcast_to(nw[:, None], gs.shape),
        jnp.broadcast_to(h0[:, None], gs.shape),
    ] + [z] * 10
    meta = jnp.stack(lanes, axis=-1)
    meta = jnp.concatenate(
        [meta, jnp.zeros((NCK, NJP - NJ, 16), jnp.int32)], axis=1
    )
    return meta.reshape(-1)


def kernel(x, I):
    B, C, H, W = x.shape
    HW = H * W
    R = B * C
    M = I.shape[0]

    NC, NS = 2, 16
    NRG = 4
    NCK = 8
    RG = R // NRG
    CHW = M // NCK
    NG = CHW // 16
    NJ = H // _WH
    NJP = ((NJ + 15) // 16) * 16
    MROW = NJP * 16
    assert RG * NRG == R and CHW * NCK == M and NG * 16 == CHW

    meta = _window_metadata(I, H, W, NCK, CHW, NJ, NJP)
    Ih = (I // W).astype(jnp.int32)
    Iw = (I % W).astype(jnp.int32)

    mesh = plsc.VectorSubcoreMesh(core_axis_name="c", subcore_axis_name="s")

    @functools.partial(
        pl.kernel,
        mesh=mesh,
        compiler_params=pltpu.CompilerParams(needs_layout_passes=False),
        out_type=jax.ShapeDtypeStruct((R * M,), jnp.float32),
        scratch_types=[
            pltpu.VMEM((CHW,), jnp.int32),
            pltpu.VMEM((CHW,), jnp.int32),
            pltpu.VMEM((_NBUF * _WH, W), jnp.float32),
            pltpu.VMEM((2 * CHW,), jnp.float32),
            pltpu.VMEM((MROW,), jnp.int32),
            pltpu.SemaphoreType.DMA,
            pltpu.SemaphoreType.DMA,
        ],
    )
    def k(x_hbm, ih_hbm, iw_hbm, meta_hbm, out_hbm, ih_ref, iw_ref, win,
          outbuf, meta_v, wsem, osem):
        cid = lax.axis_index("c")
        sid = lax.axis_index("s")
        wid = sid * NC + cid
        rg = wid // NCK
        ck = lax.rem(wid, NCK)
        rbase = rg * RG

        pltpu.sync_copy(
            ih_hbm.at[pl.ds(pl.multiple_of(ck * CHW, 8), CHW)], ih_ref
        )
        pltpu.sync_copy(
            iw_hbm.at[pl.ds(pl.multiple_of(ck * CHW, 8), CHW)], iw_ref
        )
        pltpu.sync_copy(
            meta_hbm.at[pl.ds(pl.multiple_of(ck * MROW, 8), MROW)], meta_v
        )
        m0 = meta_v[pl.ds(0, 16)]
        nw = m0[4]
        h0 = m0[5]
        total = nw * RG

        def out_off(row):
            return pl.ds(pl.multiple_of((row * NCK + ck) * CHW, 8), CHW)

        def win_src(row, j):
            hj = h0 + j * jnp.int32(_WH)
            return x_hbm.at[row, pl.ds(pl.multiple_of(hj, 8), _WH), :]

        def win_dst(sl):
            return win.at[
                pl.ds(pl.multiple_of(sl * jnp.int32(_WH), 8), _WH), :
            ]

        def bump(row, j):
            wrap = j + 1 >= nw
            return (
                jnp.where(wrap, row + 1, row),
                jnp.where(wrap, 0, j + 1),
            )

        rp, jp = jnp.int32(rbase), jnp.int32(0)
        for s in range(_NBUF - 1):
            @pl.when(s < RG)
            def _(rp=rp, jp=jp, s=s):
                pltpu.async_copy(win_src(rp, jp), win_dst(jnp.int32(s)), wsem)
            rp, jp = bump(rp, jp)

        def task_body(t, carry):
            row, j, rp, jp = carry
            sl = lax.rem(t, _NBUF)

            pltpu.make_async_copy(win_src(row, j), win_dst(sl), wsem).wait()

            @pl.when(t + (_NBUF - 1) < total)
            def _():
                pltpu.async_copy(
                    win_src(rp, jp),
                    win_dst(lax.rem(t + (_NBUF - 1), _NBUF)),
                    wsem,
                )

            mrow = meta_v[pl.ds(j * 16, 16)]
            gs = mrow[0]
            gsi = mrow[1]
            gei = mrow[2]
            ge = mrow[3]
            hj = h0 + j * jnp.int32(_WH)
            hb = hj - sl * jnp.int32(_WH)
            oo = lax.rem(row, 2) * jnp.int32(CHW)

            @pl.when((j == 0) & (row >= rbase + 2))
            def _():
                pltpu.make_async_copy(
                    outbuf.at[pl.ds(pl.multiple_of(oo, 8), CHW)],
                    out_hbm.at[out_off(row - 2)],
                    osem,
                ).wait()

            def masked_group(g):
                hv = ih_ref[pl.ds(g * 16, 16)]
                wv = iw_ref[pl.ds(g * 16, 16)]
                m = (hv >= hj) & (hv < hj + _WH)
                dh2 = jnp.minimum(
                    jnp.maximum(hv - hb, sl * jnp.int32(_WH)),
                    sl * jnp.int32(_WH) + jnp.int32(_WH - 1),
                )
                vals = plsc.load_gather(win, [dh2, wv], mask=m)
                prev = outbuf[pl.ds(oo + g * 16, 16)]
                outbuf[pl.ds(oo + g * 16, 16)] = jnp.where(m, vals, prev)

            @pl.when(gs < gsi)
            def _():
                masked_group(gs)

            @pl.when(gei < ge)
            def _():
                masked_group(gei)

            gsi2 = jnp.minimum(gsi, gei)

            @plsc.parallel_loop(gsi2, gei, unroll=8)
            def _(g):
                hv = ih_ref[pl.ds(g * 16, 16)]
                wv = iw_ref[pl.ds(g * 16, 16)]
                vals = plsc.load_gather(win, [hv - hb, wv])
                outbuf[pl.ds(oo + g * 16, 16)] = vals

            @pl.when(j + 1 >= nw)
            def _():
                pltpu.async_copy(
                    outbuf.at[pl.ds(pl.multiple_of(oo, 8), CHW)],
                    out_hbm.at[out_off(row)],
                    osem,
                )

            row, j = bump(row, j)
            rp, jp = bump(rp, jp)
            return (row, j, rp, jp)

        lax.fori_loop(
            0,
            total,
            task_body,
            (jnp.int32(rbase), jnp.int32(0), rp, jp),
            unroll=False,
        )

        for back in (2, 1):
            oo = ((RG - back) % 2) * CHW
            pltpu.make_async_copy(
                outbuf.at[pl.ds(oo, CHW)],
                out_hbm.at[out_off(rbase + RG - back)],
                osem,
            ).wait()

    out = k(x.reshape(R, H, W), Ih, Iw, meta)
    return out.reshape(B, C, M)

# --- scband reference (transcript-rebuilt; emitter-appended) ---
"""Pipeline reference for scband-gather-to-graph-40853728919767 (READ-ONLY COPY).

The authoritative reference and input builder live on the scoring server;
editing this copy changes nothing except your own understanding.
"""

import jax, jax.numpy as jnp
import numpy as np

H, W = 384, 384
B, C = 4, 96
M = 73728  # number of walkable cells (~50% of H*W)


def setup_inputs(seed: int = 0) -> dict:
    key = jax.random.key(seed)
    kx, ki = jax.random.split(key)
    x = jax.random.normal(kx, (B, C, H, W), dtype=jnp.float32)
    # I plays the role of th.nonzero(G.view(-1)).squeeze(1): sorted flat indices
    # of walkable cells within [0, H*W).
    I = jnp.sort(jax.random.randint(ki, (M,), 0, H * W, dtype=jnp.int32))
    return {"x": x, "I": I}


def reference(x, I):
    # Flatten2D: * x H x W -> * x (H*W)
    flat = x.reshape(x.shape[:-2] + (-1,))
    # th.index_select(flat, -1, I) -> * x M
    return jnp.take(flat, I, axis=-1)

if __name__ == "__main__":
    import jax
    _d = setup_inputs()
    print(jax.jit(kernel)(*tuple(_d.values())))

</pallas_src>

<mosaic_0001>
#map = affine_map<(d0, d1) -> (0, 0, 0)>
#map1 = affine_map<(d0, d1) -> (0)>
module attributes {stable_mosaic.version = 14 : i64} {
  func.func @k(%arg0: i32, %arg1: i32, %arg2: memref<384x384x384xf32, #tpu.memory_space<hbm>>, %arg3: memref<73728xi32, #tpu.memory_space<hbm>>, %arg4: memref<73728xi32, #tpu.memory_space<hbm>>, %arg5: memref<2048xi32, #tpu.memory_space<hbm>>, %arg6: memref<28311552xf32, #tpu.memory_space<hbm>>, %arg7: memref<9216xi32, #tpu.memory_space<vmem>>, %arg8: memref<9216xi32, #tpu.memory_space<vmem>>, %arg9: memref<192x384xf32, #tpu.memory_space<vmem>>, %arg10: memref<18432xf32, #tpu.memory_space<vmem>>, %arg11: memref<256xi32, #tpu.memory_space<vmem>>, %arg12: memref<!tpu.dma_semaphore, #tpu.memory_space<semaphore_mem>>, %arg13: memref<!tpu.dma_semaphore, #tpu.memory_space<semaphore_mem>>) attributes {dimension_semantics = [#tpu.dimension_semantics<core_parallel>, #tpu.dimension_semantics<subcore_parallel>], iteration_bounds = array<i64: 2, 16>, scalar_prefetch = 0 : i64, scratch_operands = 7 : i64, tpu.core_type = #tpu.core_type<sc_vector_subcore>, window_params = [{transform_indices = #map}, {transform_indices = #map1}, {transform_indices = #map1}, {transform_indices = #map1}, {transform_indices = #map1}]} {
    %mul3A = arith.constant 2 : i32
    %mul3A_0 = arith.muli %arg1, %mul3A : i32
    %add3A = arith.addi %mul3A_0, %arg0 : i32
    %jit3A = arith.constant 8 : i32
    %div3A = arith.divsi %add3A, %jit3A : i32
    %sign3A = arith.constant 0 : i32
    %sign3A_1 = arith.cmpi sgt, %add3A, %sign3A : i32
    %sign3A_2 = arith.extui %sign3A_1 : i1 to i32
    %sign3A_3 = arith.constant 0 : i32
    %sign3A_4 = arith.cmpi slt, %add3A, %sign3A_3 : i32
    %sign3A_5 = arith.extui %sign3A_4 : i1 to i32
    %sign3A_6 = arith.subi %sign3A_2, %sign3A_5 : i32
    %sign3A_7 = arith.constant 0 : i32
    %sign3A_8 = arith.cmpi sgt, %jit3A, %sign3A_7 : i32
    %sign3A_9 = arith.extui %sign3A_8 : i1 to i32
    %sign3A_10 = arith.constant 0 : i32
    %sign3A_11 = arith.cmpi slt, %jit3A, %sign3A_10 : i32
    %sign3A_12 = arith.extui %sign3A_11 : i1 to i32
    %sign3A_13 = arith.subi %sign3A_9, %sign3A_12 : i32
    %ne3A = arith.cmpi ne, %sign3A_6, %sign3A_13 : i32
    %rem3A = arith.remsi %add3A, %jit3A : i32
    %ne3A_14 = arith.constant 0 : i32
    %ne3A_15 = arith.cmpi ne, %rem3A, %ne3A_14 : i32
    %and3A = arith.andi %ne3A, %ne3A_15 : i1
    %sub3A = arith.constant 1 : i32
    %sub3A_16 = arith.subi %div3A, %sub3A : i32
    %select_n3A = arith.select %and3A, %sub3A_16, %div3A : i32
    %rem3A_17 = arith.constant 8 : i32
    %rem3A_18 = arith.remsi %add3A, %rem3A_17 : i32
    %mul3A_19 = arith.constant 96 : i32
    %mul3A_20 = arith.muli %select_n3A, %mul3A_19 : i32
    %mul3A_21 = arith.constant 9216 : i32
    %mul3A_22 = arith.muli %rem3A_18, %mul3A_21 : i32
    %multiple_of3A = tpu.assume_multiple %mul3A_22, 8 : i32
    "tpu.region"() ({
      %run_scoped3A = tpu.sem_alloc : memref<!tpu.dma_semaphore, #tpu.memory_space<semaphore_mem>>
      %dma_start3A_217 = tpu.memref_slice %arg3[%multiple_of3A] : memref<73728xi32, #tpu.memory_space<hbm>> -> memref<9216xi32, #tpu.memory_space<hbm>>
      %dma_start3A_218 = tpu.memref_slice %arg3[%multiple_of3A] : memref<73728xi32, #tpu.memory_space<hbm>> -> memref<9216xi32, #tpu.memory_space<hbm>>
      tpu.enqueue_dma source(%dma_start3A_218 : memref<9216xi32, #tpu.memory_space<hbm>>) target(%arg7 : memref<9216xi32, #tpu.memory_space<vmem>>) target_semaphore(%run_scoped3A : memref<!tpu.dma_semaphore, #tpu.memory_space<semaphore_mem>>)
      %dma_wait3A_219 = tpu.memref_slice %arg3[%multiple_of3A] : memref<73728xi32, #tpu.memory_space<hbm>> -> memref<9216xi32, #tpu.memory_space<hbm>>
      %dma_wait3A_220 = tpu.memref_slice %arg3[%multiple_of3A] : memref<73728xi32, #tpu.memory_space<hbm>> -> memref<9216xi32, #tpu.memory_space<hbm>>
      tpu.wait_dma2 semaphore(%run_scoped3A : memref<!tpu.dma_semaphore, #tpu.memory_space<semaphore_mem>>) src(%dma_wait3A_220 : memref<9216xi32, #tpu.memory_space<hbm>>) dst(%arg7 : memref<9216xi32, #tpu.memory_space<vmem>>)
      tpu.yield
    }) : () -> ()
    %mul3A_23 = arith.constant 9216 : i32
    %mul3A_24 = arith.muli %rem3A_18, %mul3A_23 : i32
    %multiple_of3A_25 = tpu.assume_multiple %mul3A_24, 8 : i32
    "tpu.region"() ({
      %run_scoped3A = tpu.sem_alloc : memref<!tpu.dma_semaphore, #tpu.memory_space<semaphore_mem>>
      %dma_start3A_217 = tpu.memref_slice %arg4[%multiple_of3A_25] : memref<73728xi32, #tpu.memory_space<hbm>> -> memref<9216xi32, #tpu.memory_space<hbm>>
      %dma_start3A_218 = tpu.memref_slice %arg4[%multiple_of3A_25] : memref<73728xi32, #tpu.memory_space<hbm>> -> memref<9216xi32, #tpu.memory_space<hbm>>
      tpu.enqueue_dma source(%dma_start3A_218 : memref<9216xi32, #tpu.memory_space<hbm>>) target(%arg8 : memref<9216xi32, #tpu.memory_space<vmem>>) target_semaphore(%run_scoped3A : memref<!tpu.dma_semaphore, #tpu.memory_space<semaphore_mem>>)
      %dma_wait3A_219 = tpu.memref_slice %arg4[%multiple_of3A_25] : memref<73728xi32, #tpu.memory_space<hbm>> -> memref<9216xi32, #tpu.memory_space<hbm>>
      %dma_wait3A_220 = tpu.memref_slice %arg4[%multiple_of3A_25] : memref<73728xi32, #tpu.memory_space<hbm>> -> memref<9216xi32, #tpu.memory_space<hbm>>
      tpu.wait_dma2 semaphore(%run_scoped3A : memref<!tpu.dma_semaphore, #tpu.memory_space<semaphore_mem>>) src(%dma_wait3A_220 : memref<9216xi32, #tpu.memory_space<hbm>>) dst(%arg8 : memref<9216xi32, #tpu.memory_space<vmem>>)
      tpu.yield
    }) : () -> ()
    %mul3A_26 = arith.constant 256 : i32
    %mul3A_27 = arith.muli %rem3A_18, %mul3A_26 : i32
    %multiple_of3A_28 = tpu.assume_multiple %mul3A_27, 8 : i32
    "tpu.region"() ({
      %run_scoped3A = tpu.sem_alloc : memref<!tpu.dma_semaphore, #tpu.memory_space<semaphore_mem>>
      %dma_start3A_217 = tpu.memref_slice %arg5[%multiple_of3A_28] : memref<2048xi32, #tpu.memory_space<hbm>> -> memref<256xi32, #tpu.memory_space<hbm>>
      %dma_start3A_218 = tpu.memref_slice %arg5[%multiple_of3A_28] : memref<2048xi32, #tpu.memory_space<hbm>> -> memref<256xi32, #tpu.memory_space<hbm>>
      tpu.enqueue_dma source(%dma_start3A_218 : memref<256xi32, #tpu.memory_space<hbm>>) target(%arg11 : memref<256xi32, #tpu.memory_space<vmem>>) target_semaphore(%run_scoped3A : memref<!tpu.dma_semaphore, #tpu.memory_space<semaphore_mem>>)
      %dma_wait3A_219 = tpu.memref_slice %arg5[%multiple_of3A_28] : memref<2048xi32, #tpu.memory_space<hbm>> -> memref<256xi32, #tpu.memory_space<hbm>>
      %dma_wait3A_220 = tpu.memref_slice %arg5[%multiple_of3A_28] : memref<2048xi32, #tpu.memory_space<hbm>> -> memref<256xi32, #tpu.memory_space<hbm>>
      tpu.wait_dma2 semaphore(%run_scoped3A : memref<!tpu.dma_semaphore, #tpu.memory_space<semaphore_mem>>) src(%dma_wait3A_220 : memref<256xi32, #tpu.memory_space<hbm>>) dst(%arg11 : memref<256xi32, #tpu.memory_space<vmem>>)
      tpu.yield
    }) : () -> ()
    %get3A = arith.constant 0 : index
    %get3A_29 = tpu.vector_load %arg11[%get3A] {strides = array<i32>} : memref<256xi32, #tpu.memory_space<vmem>>, vector<16xi32>,
    %slice3A = vector.extract_strided_slice %get3A_29 {offsets = [4], sizes = [1], strides = [1]} : vector<16xi32> to vector<1xi32>
    %squeeze3A = vector.extract %slice3A[0] : i32 from vector<1xi32>
    %slice3A_30 = vector.extract_strided_slice %get3A_29 {offsets = [5], sizes = [1], strides = [1]} : vector<16xi32> to vector<1xi32>
    %squeeze3A_31 = vector.extract %slice3A_30[0] : i32 from vector<1xi32>
    %mul3A_32 = arith.constant 96 : i32
    %mul3A_33 = arith.muli %squeeze3A, %mul3A_32 : i32
    %mul3A_34 = arith.constant 0 : i32
    %mul3A_35 = arith.constant 32 : i32
    %mul3A_36 = arith.muli %mul3A_34, %mul3A_35 : i32
    %add3A_37 = arith.addi %squeeze3A_31, %mul3A_36 : i32
    %multiple_of3A_38 = tpu.assume_multiple %add3A_37, 8 : i32
    %mul3A_39 = arith.constant 0 : i32
    %mul3A_40 = arith.constant 32 : i32
    %mul3A_41 = arith.muli %mul3A_39, %mul3A_40 : i32
    %multiple_of3A_42 = tpu.assume_multiple %mul3A_41, 8 : i32
    %dma_start3A = arith.constant 0 : i32
    %dma_start3A_43 = tpu.memref_slice %arg9[%multiple_of3A_42, %dma_start3A] : memref<192x384xf32, #tpu.memory_space<vmem>> -> memref<32x384xf32, #tpu.memory_space<vmem>>
    %dma_start3A_44 = arith.constant 0 : i32
    %dma_start3A_45 = tpu.memref_slice %arg2[%mul3A_20, %multiple_of3A_38, %dma_start3A_44] : memref<384x384x384xf32, #tpu.memory_space<hbm>> -> memref<1x32x384xf32, #tpu.memory_space<hbm>>
    %dma_start3A_46 = tpu.memref_squeeze %dma_start3A_45 : memref<1x32x384xf32, #tpu.memory_space<hbm>> -> memref<32x384xf32, #tpu.memory_space<hbm>>
    %dma_start3A_47 = arith.constant 0 : i32
    %dma_start3A_48 = tpu.memref_slice %arg9[%multiple_of3A_42, %dma_start3A_47] : memref<192x384xf32, #tpu.memory_space<vmem>> -> memref<32x384xf32, #tpu.memory_space<vmem>>
    %dma_start3A_49 = arith.constant 0 : i32
    %dma_start3A_50 = tpu.memref_slice %arg2[%mul3A_20, %multiple_of3A_38, %dma_start3A_49] : memref<384x384x384xf32, #tpu.memory_space<hbm>> -> memref<1x32x384xf32, #tpu.memory_space<hbm>>
    %dma_start3A_51 = tpu.memref_squeeze %dma_start3A_50 : memref<1x32x384xf32, #tpu.memory_space<hbm>> -> memref<32x384xf32, #tpu.memory_space<hbm>>
    tpu.enqueue_dma source(%dma_start3A_51 : memref<32x384xf32, #tpu.memory_space<hbm>>) target(%dma_start3A_48 : memref<32x384xf32, #tpu.memory_space<vmem>>) target_semaphore(%arg12 : memref<!tpu.dma_semaphore, #tpu.memory_space<semaphore_mem>>)
    %add3A_52 = arith.constant 0 : i32
    %add3A_53 = arith.constant 1 : i32
    %add3A_54 = arith.addi %add3A_52, %add3A_53 : i32
    %ge3A = arith.cmpi sge, %add3A_54, %squeeze3A : i32
    %add3A_55 = arith.constant 1 : i32
    %add3A_56 = arith.addi %mul3A_20, %add3A_55 : i32
    %select_n3A_57 = arith.select %ge3A, %add3A_56, %mul3A_20 : i32
    %add3A_58 = arith.constant 0 : i32
    %add3A_59 = arith.constant 1 : i32
    %add3A_60 = arith.addi %add3A_58, %add3A_59 : i32
    %jit3A_61 = arith.constant 0 : i32
    %select_n3A_62 = arith.select %ge3A, %jit3A_61, %add3A_60 : i32
    %mul3A_63 = arith.constant 32 : i32
    %mul3A_64 = arith.muli %select_n3A_62, %mul3A_63 : i32
    %add3A_65 = arith.addi %squeeze3A_31, %mul3A_64 : i32
    %multiple_of3A_66 = tpu.assume_multiple %add3A_65, 8 : i32
    %mul3A_67 = arith.constant 1 : i32
    %mul3A_68 = arith.constant 32 : i32
    %mul3A_69 = arith.muli %mul3A_67, %mul3A_68 : i32
    %multiple_of3A_70 = tpu.assume_multiple %mul3A_69, 8 : i32
    %dma_start3A_71 = arith.constant 0 : i32
    %dma_start3A_72 = tpu.memref_slice %arg9[%multiple_of3A_70, %dma_start3A_71] : memref<192x384xf32, #tpu.memory_space<vmem>> -> memref<32x384xf32, #tpu.memory_space<vmem>>
    %dma_start3A_73 = arith.constant 0 : i32
    %dma_start3A_74 = tpu.memref_slice %arg2[%select_n3A_57, %multiple_of3A_66, %dma_start3A_73] : memref<384x384x384xf32, #tpu.memory_space<hbm>> -> memref<1x32x384xf32, #tpu.memory_space<hbm>>
    %dma_start3A_75 = tpu.memref_squeeze %dma_start3A_74 : memref<1x32x384xf32, #tpu.memory_space<hbm>> -> memref<32x384xf32, #tpu.memory_space<hbm>>
    %dma_start3A_76 = arith.constant 0 : i32
    %dma_start3A_77 = tpu.memref_slice %arg9[%multiple_of3A_70, %dma_start3A_76] : memref<192x384xf32, #tpu.memory_space<vmem>> -> memref<32x384xf32, #tpu.memory_space<vmem>>
    %dma_start3A_78 = arith.constant 0 : i32
    %dma_start3A_79 = tpu.memref_slice %arg2[%select_n3A_57, %multiple_of3A_66, %dma_start3A_78] : memref<384x384x384xf32, #tpu.memory_space<hbm>> -> memref<1x32x384xf32, #tpu.memory_space<hbm>>
    %dma_start3A_80 = tpu.memref_squeeze %dma_start3A_79 : memref<1x32x384xf32, #tpu.memory_space<hbm>> -> memref<32x384xf32, #tpu.memory_space<hbm>>
    tpu.enqueue_dma source(%dma_start3A_80 : memref<32x384xf32, #tpu.memory_space<hbm>>) target(%dma_start3A_77 : memref<32x384xf32, #tpu.memory_space<vmem>>) target_semaphore(%arg12 : memref<!tpu.dma_semaphore, #tpu.memory_space<semaphore_mem>>)
    %add3A_81 = arith.constant 1 : i32
    %add3A_82 = arith.addi %select_n3A_62, %add3A_81 : i32
    %ge3A_83 = arith.cmpi sge, %add3A_82, %squeeze3A : i32
    %add3A_84 = arith.constant 1 : i32
    %add3A_85 = arith.addi %select_n3A_57, %add3A_84 : i32
    %select_n3A_86 = arith.select %ge3A_83, %add3A_85, %select_n3A_57 : i32
    %add3A_87 = arith.constant 1 : i32
    %add3A_88 = arith.addi %select_n3A_62, %add3A_87 : i32
    %jit3A_89 = arith.constant 0 : i32
    %select_n3A_90 = arith.select %ge3A_83, %jit3A_89, %add3A_88 : i32
    %mul3A_91 = arith.constant 32 : i32
    %mul3A_92 = arith.muli %select_n3A_90, %mul3A_91 : i32
    %add3A_93 = arith.addi %squeeze3A_31, %mul3A_92 : i32
    %multiple_of3A_94 = tpu.assume_multiple %add3A_93, 8 : i32
    %mul3A_95 = arith.constant 2 : i32
    %mul3A_96 = arith.constant 32 : i32
    %mul3A_97 = arith.muli %mul3A_95, %mul3A_96 : i32
    %multiple_of3A_98 = tpu.assume_multiple %mul3A_97, 8 : i32
    %dma_start3A_99 = arith.constant 0 : i32
    %dma_start3A_100 = tpu.memref_slice %arg9[%multiple_of3A_98, %dma_start3A_99] : memref<192x384xf32, #tpu.memory_space<vmem>> -> memref<32x384xf32, #tpu.memory_space<vmem>>
    %dma_start3A_101 = arith.constant 0 : i32
    %dma_start3A_102 = tpu.memref_slice %arg2[%select_n3A_86, %multiple_of3A_94, %dma_start3A_101] : memref<384x384x384xf32, #tpu.memory_space<hbm>> -> memref<1x32x384xf32, #tpu.memory_space<hbm>>
    %dma_start3A_103 = tpu.memref_squeeze %dma_start3A_102 : memref<1x32x384xf32, #tpu.memory_space<hbm>> -> memref<32x384xf32, #tpu.memory_space<hbm>>
    %dma_start3A_104 = arith.constant 0 : i32
    %dma_start3A_105 = tpu.memref_slice %arg9[%multiple_of3A_98, %dma_start3A_104] : memref<192x384xf32, #tpu.memory_space<vmem>> -> memref<32x384xf32, #tpu.memory_space<vmem>>
    %dma_start3A_106 = arith.constant 0 : i32
    %dma_start3A_107 = tpu.memref_slice %arg2[%select_n3A_86, %multiple_of3A_94, %dma_start3A_106] : memref<384x384x384xf32, #tpu.memory_space<hbm>> -> memref<1x32x384xf32, #tpu.memory_space<hbm>>
    %dma_start3A_108 = tpu.memref_squeeze %dma_start3A_107 : memref<1x32x384xf32, #tpu.memory_space<hbm>> -> memref<32x384xf32, #tpu.memory_space<hbm>>
    tpu.enqueue_dma source(%dma_start3A_108 : memref<32x384xf32, #tpu.memory_space<hbm>>) target(%dma_start3A_105 : memref<32x384xf32, #tpu.memory_space<vmem>>) target_semaphore(%arg12 : memref<!tpu.dma_semaphore, #tpu.memory_space<semaphore_mem>>)
    %add3A_109 = arith.constant 1 : i32
    %add3A_110 = arith.addi %select_n3A_90, %add3A_109 : i32
    %ge3A_111 = arith.cmpi sge, %add3A_110, %squeeze3A : i32
    %add3A_112 = arith.constant 1 : i32
    %add3A_113 = arith.addi %select_n3A_86, %add3A_112 : i32
    %select_n3A_114 = arith.select %ge3A_111, %add3A_113, %select_n3A_86 : i32
    %add3A_115 = arith.constant 1 : i32
    %add3A_116 = arith.addi %select_n3A_90, %add3A_115 : i32
    %jit3A_117 = arith.constant 0 : i32
    %select_n3A_118 = arith.select %ge3A_111, %jit3A_117, %add3A_116 : i32
    %mul3A_119 = arith.constant 32 : i32
    %mul3A_120 = arith.muli %select_n3A_118, %mul3A_119 : i32
    %add3A_121 = arith.addi %squeeze3A_31, %mul3A_120 : i32
    %multiple_of3A_122 = tpu.assume_multiple %add3A_121, 8 : i32
    %mul3A_123 = arith.constant 3 : i32
    %mul3A_124 = arith.constant 32 : i32
    %mul3A_125 = arith.muli %mul3A_123, %mul3A_124 : i32
    %multiple_of3A_126 = tpu.assume_multiple %mul3A_125, 8 : i32
    %dma_start3A_127 = arith.constant 0 : i32
    %dma_start3A_128 = tpu.memref_slice %arg9[%multiple_of3A_126, %dma_start3A_127] : memref<192x384xf32, #tpu.memory_space<vmem>> -> memref<32x384xf32, #tpu.memory_space<vmem>>
    %dma_start3A_129 = arith.constant 0 : i32
    %dma_start3A_130 = tpu.memref_slice %arg2[%select_n3A_114, %multiple_of3A_122, %dma_start3A_129] : memref<384x384x384xf32, #tpu.memory_space<hbm>> -> memref<1x32x384xf32, #tpu.memory_space<hbm>>
    %dma_start3A_131 = tpu.memref_squeeze %dma_start3A_130 : memref<1x32x384xf32, #tpu.memory_space<hbm>> -> memref<32x384xf32, #tpu.memory_space<hbm>>
    %dma_start3A_132 = arith.constant 0 : i32
    %dma_start3A_133 = tpu.memref_slice %arg9[%multiple_of3A_126, %dma_start3A_132] : memref<192x384xf32, #tpu.memory_space<vmem>> -> memref<32x384xf32, #tpu.memory_space<vmem>>
    %dma_start3A_134 = arith.constant 0 : i32
    %dma_start3A_135 = tpu.memref_slice %arg2[%select_n3A_114, %multiple_of3A_122, %dma_start3A_134] : memref<384x384x384xf32, #tpu.memory_space<hbm>> -> memref<1x32x384xf32, #tpu.memory_space<hbm>>
    %dma_start3A_136 = tpu.memref_squeeze %dma_start3A_135 : memref<1x32x384xf32, #tpu.memory_space<hbm>> -> memref<32x384xf32, #tpu.memory_space<hbm>>
    tpu.enqueue_dma source(%dma_start3A_136 : memref<32x384xf32, #tpu.memory_space<hbm>>) target(%dma_start3A_133 : memref<32x384xf32, #tpu.memory_space<vmem>>) target_semaphore(%arg12 : memref<!tpu.dma_semaphore, #tpu.memory_space<semaphore_mem>>)
    %add3A_137 = arith.constant 1 : i32
    %add3A_138 = arith.addi %select_n3A_118, %add3A_137 : i32
    %ge3A_139 = arith.cmpi sge, %add3A_138, %squeeze3A : i32
    %add3A_140 = arith.constant 1 : i32
    %add3A_141 = arith.addi %select_n3A_114, %add3A_140 : i32
    %select_n3A_142 = arith.select %ge3A_139, %add3A_141, %select_n3A_114 : i32
    %add3A_143 = arith.constant 1 : i32
    %add3A_144 = arith.addi %select_n3A_118, %add3A_143 : i32
    %jit3A_145 = arith.constant 0 : i32
    %select_n3A_146 = arith.select %ge3A_139, %jit3A_145, %add3A_144 : i32
    %mul3A_147 = arith.constant 32 : i32
    %mul3A_148 = arith.muli %select_n3A_146, %mul3A_147 : i32
    %add3A_149 = arith.addi %squeeze3A_31, %mul3A_148 : i32
    %multiple_of3A_150 = tpu.assume_multiple %add3A_149, 8 : i32
    %mul3A_151 = arith.constant 4 : i32
    %mul3A_152 = arith.constant 32 : i32
    %mul3A_153 = arith.muli %mul3A_151, %mul3A_152 : i32
    %multiple_of3A_154 = tpu.assume_multiple %mul3A_153, 8 : i32
    %dma_start3A_155 = arith.constant 0 : i32
    %dma_start3A_156 = tpu.memref_slice %arg9[%multiple_of3A_154, %dma_start3A_155] : memref<192x384xf32, #tpu.memory_space<vmem>> -> memref<32x384xf32, #tpu.memory_space<vmem>>
    %dma_start3A_157 = arith.constant 0 : i32
    %dma_start3A_158 = tpu.memref_slice %arg2[%select_n3A_142, %multiple_of3A_150, %dma_start3A_157] : memref<384x384x384xf32, #tpu.memory_space<hbm>> -> memref<1x32x384xf32, #tpu.memory_space<hbm>>
    %dma_start3A_159 = tpu.memref_squeeze %dma_start3A_158 : memref<1x32x384xf32, #tpu.memory_space<hbm>> -> memref<32x384xf32, #tpu.memory_space<hbm>>
    %dma_start3A_160 = arith.constant 0 : i32
    %dma_start3A_161 = tpu.memref_slice %arg9[%multiple_of3A_154, %dma_start3A_160] : memref<192x384xf32, #tpu.memory_space<vmem>> -> memref<32x384xf32, #tpu.memory_space<vmem>>
    %dma_start3A_162 = arith.constant 0 : i32
    %dma_start3A_163 = tpu.memref_slice %arg2[%select_n3A_142, %multiple_of3A_150, %dma_start3A_162] : memref<384x384x384xf32, #tpu.memory_space<hbm>> -> memref<1x32x384xf32, #tpu.memory_space<hbm>>
    %dma_start3A_164 = tpu.memref_squeeze %dma_start3A_163 : memref<1x32x384xf32, #tpu.memory_space<hbm>> -> memref<32x384xf32, #tpu.memory_space<hbm>>
    tpu.enqueue_dma source(%dma_start3A_164 : memref<32x384xf32, #tpu.memory_space<hbm>>) target(%dma_start3A_161 : memref<32x384xf32, #tpu.memory_space<vmem>>) target_semaphore(%arg12 : memref<!tpu.dma_semaphore, #tpu.memory_space<semaphore_mem>>)
    %add3A_165 = arith.constant 1 : i32
    %add3A_166 = arith.addi %select_n3A_146, %add3A_165 : i32
    %ge3A_167 = arith.cmpi sge, %add3A_166, %squeeze3A : i32
    %add3A_168 = arith.constant 1 : i32
    %add3A_169 = arith.addi %select_n3A_142, %add3A_168 : i32
    %select_n3A_170 = arith.select %ge3A_167, %add3A_169, %select_n3A_142 : i32
    %add3A_171 = arith.constant 1 : i32
    %add3A_172 = arith.addi %select_n3A_146, %add3A_171 : i32
    %jit3A_173 = arith.constant 0 : i32
    %select_n3A_174 = arith.select %ge3A_167, %jit3A_173, %add3A_172 : i32
    %while3A = arith.constant 0 : i32
    %while3A_175 = arith.constant 0 : i32
    %while3A_176 = arith.subi %mul3A_33, %while3A : i32
    %while3A_177 = arith.addi %while3A, %while3A_176 : i32
    %while3A_178 = arith.constant 1 : i32
    %while3A_179 = arith.divsi %while3A_176, %while3A_178 : i32
    %while3A_180 = arith.muli %while3A_179, %while3A_178 : i32
    %while3A_181 = arith.addi %while3A, %while3A_180 : i32
    %while3A_182 = arith.constant 1 : i32
    %while3A_183:4 = scf.for %while3A_217 = %while3A to %while3A_181 step %while3A_182 iter_args(%while3A_218 = %mul3A_20, %while3A_219 = %while3A_175, %while3A_220 = %select_n3A_170, %while3A_221 = %select_n3A_174) -> (i32, i32, i32, i32)  : i32 {
      %rem3A_222 = arith.constant 6 : i32
      %rem3A_223 = arith.remsi %while3A_217, %rem3A_222 : i32
      %mul3A_224 = arith.constant 32 : i32
      %mul3A_225 = arith.muli %while3A_219, %mul3A_224 : i32
      %add3A_226 = arith.addi %squeeze3A_31, %mul3A_225 : i32
      %multiple_of3A_227 = tpu.assume_multiple %add3A_226, 8 : i32
      %mul3A_228 = arith.constant 32 : i32
      %mul3A_229 = arith.muli %rem3A_223, %mul3A_228 : i32
      %multiple_of3A_230 = tpu.assume_multiple %mul3A_229, 8 : i32
      %dma_wait3A_231 = arith.constant 0 : i32
      %dma_wait3A_232 = tpu.memref_slice %arg9[%multiple_of3A_230, %dma_wait3A_231] : memref<192x384xf32, #tpu.memory_space<vmem>> -> memref<32x384xf32, #tpu.memory_space<vmem>>
      %dma_wait3A_233 = arith.constant 0 : i32
      %dma_wait3A_234 = tpu.memref_slice %arg2[%while3A_218, %multiple_of3A_227, %dma_wait3A_233] : memref<384x384x384xf32, #tpu.memory_space<hbm>> -> memref<1x32x384xf32, #tpu.memory_space<hbm>>
      %dma_wait3A_235 = tpu.memref_squeeze %dma_wait3A_234 : memref<1x32x384xf32, #tpu.memory_space<hbm>> -> memref<32x384xf32, #tpu.memory_space<hbm>>
      %dma_wait3A_236 = arith.constant 0 : i32
      %dma_wait3A_237 = tpu.memref_slice %arg9[%multiple_of3A_230, %dma_wait3A_236] : memref<192x384xf32, #tpu.memory_space<vmem>> -> memref<32x384xf32, #tpu.memory_space<vmem>>
      %dma_wait3A_238 = arith.constant 0 : i32
      %dma_wait3A_239 = tpu.memref_slice %arg2[%while3A_218, %multiple_of3A_227, %dma_wait3A_238] : memref<384x384x384xf32, #tpu.memory_space<hbm>> -> memref<1x32x384xf32, #tpu.memory_space<hbm>>
      %dma_wait3A_240 = tpu.memref_squeeze %dma_wait3A_239 : memref<1x32x384xf32, #tpu.memory_space<hbm>> -> memref<32x384xf32, #tpu.memory_space<hbm>>
      tpu.wait_dma2 semaphore(%arg12 : memref<!tpu.dma_semaphore, #tpu.memory_space<semaphore_mem>>) src(%dma_wait3A_240 : memref<32x384xf32, #tpu.memory_space<hbm>>) dst(%dma_wait3A_237 : memref<32x384xf32, #tpu.memory_space<vmem>>)
      %add3A_241 = arith.constant 5 : i32
      %add3A_242 = arith.addi %while3A_217, %add3A_241 : i32
      %lt3A = arith.cmpi slt, %add3A_242, %mul3A_33 : i32
      %convert_element_type3A = arith.extui %lt3A : i1 to i32
      %cond3A = arith.constant 0 : i32
      %cond3A_243 = arith.cmpi ne, %convert_element_type3A, %cond3A : i32
      scf.if %cond3A_243 {
        %mul3A_308 = arith.constant 32 : i32
        %mul3A_309 = arith.muli %while3A_221, %mul3A_308 : i32
        %add3A_310 = arith.addi %squeeze3A_31, %mul3A_309 : i32
        %multiple_of3A_311 = tpu.assume_multiple %add3A_310, 8 : i32
        %add3A_312 = arith.constant 5 : i32
        %add3A_313 = arith.addi %while3A_217, %add3A_312 : i32
        %rem3A_314 = arith.constant 6 : i32
        %rem3A_315 = arith.remsi %add3A_313, %rem3A_314 : i32
        %mul3A_316 = arith.constant 32 : i32
        %mul3A_317 = arith.muli %rem3A_315, %mul3A_316 : i32
        %multiple_of3A_318 = tpu.assume_multiple %mul3A_317, 8 : i32
        %dma_start3A_319 = arith.constant 0 : i32
        %dma_start3A_320 = tpu.memref_slice %arg9[%multiple_of3A_318, %dma_start3A_319] : memref<192x384xf32, #tpu.memory_space<vmem>> -> memref<32x384xf32, #tpu.memory_space<vmem>>
        %dma_start3A_321 = arith.constant 0 : i32
        %dma_start3A_322 = tpu.memref_slice %arg2[%while3A_220, %multiple_of3A_311, %dma_start3A_321] : memref<384x384x384xf32, #tpu.memory_space<hbm>> -> memref<1x32x384xf32, #tpu.memory_space<hbm>>
        %dma_start3A_323 = tpu.memref_squeeze %dma_start3A_322 : memref<1x32x384xf32, #tpu.memory_space<hbm>> -> memref<32x384xf32, #tpu.memory_space<hbm>>
        %dma_start3A_324 = arith.constant 0 : i32
        %dma_start3A_325 = tpu.memref_slice %arg9[%multiple_of3A_318, %dma_start3A_324] : memref<192x384xf32, #tpu.memory_space<vmem>> -> memref<32x384xf32, #tpu.memory_space<vmem>>
        %dma_start3A_326 = arith.constant 0 : i32
        %dma_start3A_327 = tpu.memref_slice %arg2[%while3A_220, %multiple_of3A_311, %dma_start3A_326] : memref<384x384x384xf32, #tpu.memory_space<hbm>> -> memref<1x32x384xf32, #tpu.memory_space<hbm>>
        %dma_start3A_328 = tpu.memref_squeeze %dma_start3A_327 : memref<1x32x384xf32, #tpu.memory_space<hbm>> -> memref<32x384xf32, #tpu.memory_space<hbm>>
        tpu.enqueue_dma source(%dma_start3A_328 : memref<32x384xf32, #tpu.memory_space<hbm>>) target(%dma_start3A_325 : memref<32x384xf32, #tpu.memory_space<vmem>>) target_semaphore(%arg12 : memref<!tpu.dma_semaphore, #tpu.memory_space<semaphore_mem>>)
      } else {
      }
      %mul3A_244 = arith.constant 16 : i32
      %mul3A_245 = arith.muli %while3A_219, %mul3A_244 : i32
      %get3A_246 = arith.index_cast %mul3A_245 : i32 to index
      %get3A_247 = tpu.vector_load %arg11[%get3A_246] {strides = array<i32>} : memref<256xi32, #tpu.memory_space<vmem>>, vector<16xi32>,
      %slice3A_248 = vector.extract_strided_slice %get3A_247 {offsets = [0], sizes = [1], strides = [1]} : vector<16xi32> to vector<1xi32>
      %squeeze3A_249 = vector.extract %slice3A_248[0] : i32 from vector<1xi32>
      %slice3A_250 = vector.extract_strided_slice %get3A_247 {offsets = [1], sizes = [1], strides = [1]} : vector<16xi32> to vector<1xi32>
      %squeeze3A_251 = vector.extract %slice3A_250[0] : i32 from vector<1xi32>
      %slice3A_252 = vector.extract_strided_slice %get3A_247 {offsets = [2], sizes = [1], strides = [1]} : vector<16xi32> to vector<1xi32>
      %squeeze3A_253 = vector.extract %slice3A_252[0] : i32 from vector<1xi32>
      %slice3A_254 = vector.extract_strided_slice %get3A_247 {offsets = [3], sizes = [1], strides = [1]} : vector<16xi32> to vector<1xi32>
      %squeeze3A_255 = vector.extract %slice3A_254[0] : i32 from vector<1xi32>
      %mul3A_256 = arith.constant 32 : i32
      %mul3A_257 = arith.muli %while3A_219, %mul3A_256 : i32
      %add3A_258 = arith.addi %squeeze3A_31, %mul3A_257 : i32
      %mul3A_259 = arith.constant 32 : i32
      %mul3A_260 = arith.muli %rem3A_223, %mul3A_259 : i32
      %sub3A_261 = arith.subi %add3A_258, %mul3A_260 : i32
      %rem3A_262 = arith.constant 2 : i32
      %rem3A_263 = arith.remsi %while3A_218, %rem3A_262 : i32
      %mul3A_264 = arith.constant 9216 : i32
      %mul3A_265 = arith.muli %rem3A_263, %mul3A_264 : i32
      %eq3A = arith.constant 0 : i32
      %eq3A_266 = arith.cmpi eq, %while3A_219, %eq3A : i32
      %add3A_267 = arith.constant 2 : i32
      %add3A_268 = arith.addi %mul3A_20, %add3A_267 : i32
      %ge3A_269 = arith.cmpi sge, %while3A_218, %add3A_268 : i32
      %and3A_270 = arith.andi %eq3A_266, %ge3A_269 : i1
      %convert_element_type3A_271 = arith.extui %and3A_270 : i1 to i32
      %cond3A_272 = arith.constant 0 : i32
      %cond3A_273 = arith.cmpi ne, %convert_element_type3A_271, %cond3A_272 : i32
      scf.if %cond3A_273 {
        %multiple_of3A_308 = tpu.assume_multiple %mul3A_265, 8 : i32
        %sub3A_309 = arith.constant 2 : i32
        %sub3A_310 = arith.subi %while3A_218, %sub3A_309 : i32
        %mul3A_311 = arith.constant 8 : i32
        %mul3A_312 = arith.muli %sub3A_310, %mul3A_311 : i32
        %add3A_313 = arith.addi %mul3A_312, %rem3A_18 : i32
        %mul3A_314 = arith.constant 9216 : i32
        %mul3A_315 = arith.muli %add3A_313, %mul3A_314 : i32
        %multiple_of3A_316 = tpu.assume_multiple %mul3A_315, 8 : i32
        %dma_wait3A_317 = tpu.memref_slice %arg10[%multiple_of3A_308] : memref<18432xf32, #tpu.memory_space<vmem>> -> memref<9216xf32, #tpu.memory_space<vmem>>
        %dma_wait3A_318 = tpu.memref_slice %arg6[%multiple_of3A_316] : memref<28311552xf32, #tpu.memory_space<hbm>> -> memref<9216xf32, #tpu.memory_space<hbm>>
        %dma_wait3A_319 = tpu.memref_slice %arg6[%multiple_of3A_316] : memref<28311552xf32, #tpu.memory_space<hbm>> -> memref<9216xf32, #tpu.memory_space<hbm>>
        %dma_wait3A_320 = tpu.memref_slice %arg10[%multiple_of3A_308] : memref<18432xf32, #tpu.memory_space<vmem>> -> memref<9216xf32, #tpu.memory_space<vmem>>
        tpu.wait_dma2 semaphore(%arg13 : memref<!tpu.dma_semaphore, #tpu.memory_space<semaphore_mem>>) src(%dma_wait3A_320 : memref<9216xf32, #tpu.memory_space<vmem>>) dst(%dma_wait3A_319 : memref<9216xf32, #tpu.memory_space<hbm>>)
      } else {
      }
      %lt3A_274 = arith.cmpi slt, %squeeze3A_249, %squeeze3A_251 : i32
      %convert_element_type3A_275 = arith.extui %lt3A_274 : i1 to i32
      %cond3A_276 = arith.constant 0 : i32
      %cond3A_277 = arith.cmpi ne, %convert_element_type3A_275, %cond3A_276 : i32
      scf.if %cond3A_277 {
        %mul3A_308 = arith.constant 16 : i32
        %mul3A_309 = arith.muli %squeeze3A_249, %mul3A_308 : i32
        %get3A_310 = arith.index_cast %mul3A_309 : i32 to index
        %get3A_311 = tpu.vector_load %arg7[%get3A_310] {strides = array<i32>} : memref<9216xi32, #tpu.memory_space<vmem>>, vector<16xi32>,
        %mul3A_312 = arith.constant 16 : i32
        %mul3A_313 = arith.muli %squeeze3A_249, %mul3A_312 : i32
        %get3A_314 = arith.index_cast %mul3A_313 : i32 to index
        %get3A_315 = tpu.vector_load %arg8[%get3A_314] {strides = array<i32>} : memref<9216xi32, #tpu.memory_space<vmem>>, vector<16xi32>,
        %ge3A_316 = vector.broadcast %add3A_258 : i32 to vector<16xi32>
        %ge3A_317 = arith.cmpi sge, %get3A_311, %ge3A_316 : vector<16xi32>
        %add3A_318 = arith.constant 32 : i32
        %add3A_319 = arith.addi %add3A_258, %add3A_318 : i32
        %lt3A_320 = vector.broadcast %add3A_319 : i32 to vector<16xi32>
        %lt3A_321 = arith.cmpi slt, %get3A_311, %lt3A_320 : vector<16xi32>
        %and3A_322 = arith.andi %ge3A_317, %lt3A_321 : vector<16xi1>
        %sub3A_323 = vector.broadcast %sub3A_261 : i32 to vector<16xi32>
        %sub3A_324 = arith.subi %get3A_311, %sub3A_323 : vector<16xi32>
        %mul3A_325 = arith.constant 32 : i32
        %mul3A_326 = arith.muli %rem3A_223, %mul3A_325 : i32
        %max3A = vector.broadcast %mul3A_326 : i32 to vector<16xi32>
        %max3A_327 = arith.maxsi %sub3A_324, %max3A : vector<16xi32>
        %mul3A_328 = arith.constant 32 : i32
        %mul3A_329 = arith.muli %rem3A_223, %mul3A_328 : i32
        %add3A_330 = arith.constant 31 : i32
        %add3A_331 = arith.addi %mul3A_329, %add3A_330 : i32
        %min3A_332 = vector.broadcast %add3A_331 : i32 to vector<16xi32>
        %min3A_333 = arith.minsi %max3A_327, %min3A_332 : vector<16xi32>
        %gather3A = tpu.vector_load_idx %arg9[%min3A_333, %get3A_315] masked %and3A_322 : memref<192x384xf32, #tpu.memory_space<vmem>>[vector<16xi32>, vector<16xi32>], vector<16xf32>, vector<16xi1>
        %mul3A_334 = arith.constant 16 : i32
        %mul3A_335 = arith.muli %squeeze3A_249, %mul3A_334 : i32
        %add3A_336 = arith.addi %mul3A_265, %mul3A_335 : i32
        %get3A_337 = arith.index_cast %add3A_336 : i32 to index
        %get3A_338 = tpu.vector_load %arg10[%get3A_337] {strides = array<i32>} : memref<18432xf32, #tpu.memory_space<vmem>>, vector<16xf32>,
        %select_n3A_339 = arith.select %and3A_322, %gather3A, %get3A_338 : vector<16xi1>, vector<16xf32>
        %mul3A_340 = arith.constant 16 : i32
        %mul3A_341 = arith.muli %squeeze3A_249, %mul3A_340 : i32
        %add3A_342 = arith.addi %mul3A_265, %mul3A_341 : i32
        %swap3A = arith.index_cast %add3A_342 : i32 to index
        %swap3A_343 = tpu.vector_load %arg10[%swap3A] {strides = array<i32>} : memref<18432xf32, #tpu.memory_space<vmem>>, vector<16xf32>,
        tpu.vector_store %arg10[%swap3A], %select_n3A_339 {strides = array<i32>} : memref<18432xf32, #tpu.memory_space<vmem>>, vector<16xf32>,
      } else {
      }
      %lt3A_278 = arith.cmpi slt, %squeeze3A_253, %squeeze3A_255 : i32
      %convert_element_type3A_279 = arith.extui %lt3A_278 : i1 to i32
      %cond3A_280 = arith.constant 0 : i32
      %cond3A_281 = arith.cmpi ne, %convert_element_type3A_279, %cond3A_280 : i32
      scf.if %cond3A_281 {
        %mul3A_308 = arith.constant 16 : i32
        %mul3A_309 = arith.muli %squeeze3A_253, %mul3A_308 : i32
        %get3A_310 = arith.index_cast %mul3A_309 : i32 to index
        %get3A_311 = tpu.vector_load %arg7[%get3A_310] {strides = array<i32>} : memref<9216xi32, #tpu.memory_space<vmem>>, vector<16xi32>,
        %mul3A_312 = arith.constant 16 : i32
        %mul3A_313 = arith.muli %squeeze3A_253, %mul3A_312 : i32
        %get3A_314 = arith.index_cast %mul3A_313 : i32 to index
        %get3A_315 = tpu.vector_load %arg8[%get3A_314] {strides = array<i32>} : memref<9216xi32, #tpu.memory_space<vmem>>, vector<16xi32>,
        %ge3A_316 = vector.broadcast %add3A_258 : i32 to vector<16xi32>
        %ge3A_317 = arith.cmpi sge, %get3A_311, %ge3A_316 : vector<16xi32>
        %add3A_318 = arith.constant 32 : i32
        %add3A_319 = arith.addi %add3A_258, %add3A_318 : i32
        %lt3A_320 = vector.broadcast %add3A_319 : i32 to vector<16xi32>
        %lt3A_321 = arith.cmpi slt, %get3A_311, %lt3A_320 : vector<16xi32>
        %and3A_322 = arith.andi %ge3A_317, %lt3A_321 : vector<16xi1>
        %sub3A_323 = vector.broadcast %sub3A_261 : i32 to vector<16xi32>
        %sub3A_324 = arith.subi %get3A_311, %sub3A_323 : vector<16xi32>
        %mul3A_325 = arith.constant 32 : i32
        %mul3A_326 = arith.muli %rem3A_223, %mul3A_325 : i32
        %max3A = vector.broadcast %mul3A_326 : i32 to vector<16xi32>
        %max3A_327 = arith.maxsi %sub3A_324, %max3A : vector<16xi32>
        %mul3A_328 = arith.constant 32 : i32
        %mul3A_329 = arith.muli %rem3A_223, %mul3A_328 : i32
        %add3A_330 = arith.constant 31 : i32
        %add3A_331 = arith.addi %mul3A_329, %add3A_330 : i32
        %min3A_332 = vector.broadcast %add3A_331 : i32 to vector<16xi32>
        %min3A_333 = arith.minsi %max3A_327, %min3A_332 : vector<16xi32>
        %gather3A = tpu.vector_load_idx %arg9[%min3A_333, %get3A_315] masked %and3A_322 : memref<192x384xf32, #tpu.memory_space<vmem>>[vector<16xi32>, vector<16xi32>], vector<16xf32>, vector<16xi1>
        %mul3A_334 = arith.constant 16 : i32
        %mul3A_335 = arith.muli %squeeze3A_253, %mul3A_334 : i32
        %add3A_336 = arith.addi %mul3A_265, %mul3A_335 : i32
        %get3A_337 = arith.index_cast %add3A_336 : i32 to index
        %get3A_338 = tpu.vector_load %arg10[%get3A_337] {strides = array<i32>} : memref<18432xf32, #tpu.memory_space<vmem>>, vector<16xf32>,
        %select_n3A_339 = arith.select %and3A_322, %gather3A, %get3A_338 : vector<16xi1>, vector<16xf32>
        %mul3A_340 = arith.constant 16 : i32
        %mul3A_341 = arith.muli %squeeze3A_253, %mul3A_340 : i32
        %add3A_342 = arith.addi %mul3A_265, %mul3A_341 : i32
        %swap3A = arith.index_cast %add3A_342 : i32 to index
        %swap3A_343 = tpu.vector_load %arg10[%swap3A] {strides = array<i32>} : memref<18432xf32, #tpu.memory_space<vmem>>, vector<16xf32>,
        tpu.vector_store %arg10[%swap3A], %select_n3A_339 {strides = array<i32>} : memref<18432xf32, #tpu.memory_space<vmem>>, vector<16xf32>,
      } else {
      }
      %min3A = arith.minsi %squeeze3A_251, %squeeze3A_253 : i32
      %parallel_loop3A = arith.constant 1 : i32
      scf.for %parallel_loop3A_308 = %min3A to %squeeze3A_253 step %parallel_loop3A  : i32 {
        %parallel_loop3A_309 = arith.constant 16 : i32
        %parallel_loop3A_310 = arith.muli %parallel_loop3A_308, %parallel_loop3A_309 : i32
        %parallel_loop3A_311 = arith.index_cast %parallel_loop3A_310 : i32 to index
        %parallel_loop3A_312 = tpu.vector_load %arg7[%parallel_loop3A_311] {strides = array<i32>} : memref<9216xi32, #tpu.memory_space<vmem>>, vector<16xi32>,
        %parallel_loop3A_313 = arith.constant 16 : i32
        %parallel_loop3A_314 = arith.muli %parallel_loop3A_308, %parallel_loop3A_313 : i32
        %parallel_loop3A_315 = arith.index_cast %parallel_loop3A_314 : i32 to index
        %parallel_loop3A_316 = tpu.vector_load %arg8[%parallel_loop3A_315] {strides = array<i32>} : memref<9216xi32, #tpu.memory_space<vmem>>, vector<16xi32>,
        %parallel_loop3A_317 = vector.broadcast %sub3A_261 : i32 to vector<16xi32>
        %parallel_loop3A_318 = arith.subi %parallel_loop3A_312, %parallel_loop3A_317 : vector<16xi32>
        %parallel_loop3A_319 = tpu.vector_load_idx %arg9[%parallel_loop3A_318, %parallel_loop3A_316] : memref<192x384xf32, #tpu.memory_space<vmem>>[vector<16xi32>, vector<16xi32>], vector<16xf32>,
        %parallel_loop3A_320 = arith.constant 16 : i32
        %parallel_loop3A_321 = arith.muli %parallel_loop3A_308, %parallel_loop3A_320 : i32
        %parallel_loop3A_322 = arith.addi %mul3A_265, %parallel_loop3A_321 : i32
        %parallel_loop3A_323 = arith.index_cast %parallel_loop3A_322 : i32 to index
        %parallel_loop3A_324 = tpu.vector_load %arg10[%parallel_loop3A_323] {strides = array<i32>} : memref<18432xf32, #tpu.memory_space<vmem>>, vector<16xf32>,
        tpu.vector_store %arg10[%parallel_loop3A_323], %parallel_loop3A_319 {strides = array<i32>} : memref<18432xf32, #tpu.memory_space<vmem>>, vector<16xf32>,
      } {sc.loop_unroll_factor = 8 : i64, sc.parallel_access}
      %add3A_282 = arith.constant 1 : i32
      %add3A_283 = arith.addi %while3A_219, %add3A_282 : i32
      %ge3A_284 = arith.cmpi sge, %add3A_283, %squeeze3A : i32
      %convert_element_type3A_285 = arith.extui %ge3A_284 : i1 to i32
      %cond3A_286 = arith.constant 0 : i32
      %cond3A_287 = arith.cmpi ne, %convert_element_type3A_285, %cond3A_286 : i32
      scf.if %cond3A_287 {
        %multiple_of3A_308 = tpu.assume_multiple %mul3A_265, 8 : i32
        %mul3A_309 = arith.constant 8 : i32
        %mul3A_310 = arith.muli %while3A_218, %mul3A_309 : i32
        %add3A_311 = arith.addi %mul3A_310, %rem3A_18 : i32
        %mul3A_312 = arith.constant 9216 : i32
        %mul3A_313 = arith.muli %add3A_311, %mul3A_312 : i32
        %multiple_of3A_314 = tpu.assume_multiple %mul3A_313, 8 : i32
        %dma_start3A_315 = tpu.memref_slice %arg10[%multiple_of3A_308] : memref<18432xf32, #tpu.memory_space<vmem>> -> memref<9216xf32, #tpu.memory_space<vmem>>
        %dma_start3A_316 = tpu.memref_slice %arg6[%multiple_of3A_314] : memref<28311552xf32, #tpu.memory_space<hbm>> -> memref<9216xf32, #tpu.memory_space<hbm>>
        %dma_start3A_317 = tpu.memref_slice %arg6[%multiple_of3A_314] : memref<28311552xf32, #tpu.memory_space<hbm>> -> memref<9216xf32, #tpu.memory_space<hbm>>
        %dma_start3A_318 = tpu.memref_slice %arg10[%multiple_of3A_308] : memref<18432xf32, #tpu.memory_space<vmem>> -> memref<9216xf32, #tpu.memory_space<vmem>>
        tpu.enqueue_dma source(%dma_start3A_318 : memref<9216xf32, #tpu.memory_space<vmem>>) target(%dma_start3A_317 : memref<9216xf32, #tpu.memory_space<hbm>>) target_semaphore(%arg13 : memref<!tpu.dma_semaphore, #tpu.memory_space<semaphore_mem>>)
      } else {
      }
      %add3A_288 = arith.constant 1 : i32
      %add3A_289 = arith.addi %while3A_219, %add3A_288 : i32
      %ge3A_290 = arith.cmpi sge, %add3A_289, %squeeze3A : i32
      %add3A_291 = arith.constant 1 : i32
      %add3A_292 = arith.addi %while3A_218, %add3A_291 : i32
      %select_n3A_293 = arith.select %ge3A_290, %add3A_292, %while3A_218 : i32
      %add3A_294 = arith.constant 1 : i32
      %add3A_295 = arith.addi %while3A_219, %add3A_294 : i32
      %jit3A_296 = arith.constant 0 : i32
      %select_n3A_297 = arith.select %ge3A_290, %jit3A_296, %add3A_295 : i32
      %add3A_298 = arith.constant 1 : i32
      %add3A_299 = arith.addi %while3A_221, %add3A_298 : i32
      %ge3A_300 = arith.cmpi sge, %add3A_299, %squeeze3A : i32
      %add3A_301 = arith.constant 1 : i32
      %add3A_302 = arith.addi %while3A_220, %add3A_301 : i32
      %select_n3A_303 = arith.select %ge3A_300, %add3A_302, %while3A_220 : i32
      %add3A_304 = arith.constant 1 : i32
      %add3A_305 = arith.addi %while3A_221, %add3A_304 : i32
      %jit3A_306 = arith.constant 0 : i32
      %select_n3A_307 = arith.select %ge3A_300, %jit3A_306, %add3A_305 : i32
      scf.yield %select_n3A_293, %select_n3A_297, %select_n3A_303, %select_n3A_307 : i32, i32, i32, i32
    }
    %while3A_184 = arith.constant 1 : i32
    %while3A_185:4 = scf.for %while3A_217 = %while3A_181 to %while3A_177 step %while3A_184 iter_args(%while3A_218 = %while3A_183#0, %while3A_219 = %while3A_183#1, %while3A_220 = %while3A_183#2, %while3A_221 = %while3A_183#3) -> (i32, i32, i32, i32)  : i32 {
      %rem3A_222 = arith.constant 6 : i32
      %rem3A_223 = arith.remsi %while3A_217, %rem3A_222 : i32
      %mul3A_224 = arith.constant 32 : i32
      %mul3A_225 = arith.muli %while3A_219, %mul3A_224 : i32
      %add3A_226 = arith.addi %squeeze3A_31, %mul3A_225 : i32
      %multiple_of3A_227 = tpu.assume_multiple %add3A_226, 8 : i32
      %mul3A_228 = arith.constant 32 : i32
      %mul3A_229 = arith.muli %rem3A_223, %mul3A_228 : i32
      %multiple_of3A_230 = tpu.assume_multiple %mul3A_229, 8 : i32
      %dma_wait3A_231 = arith.constant 0 : i32
      %dma_wait3A_232 = tpu.memref_slice %arg9[%multiple_of3A_230, %dma_wait3A_231] : memref<192x384xf32, #tpu.memory_space<vmem>> -> memref<32x384xf32, #tpu.memory_space<vmem>>
      %dma_wait3A_233 = arith.constant 0 : i32
      %dma_wait3A_234 = tpu.memref_slice %arg2[%while3A_218, %multiple_of3A_227, %dma_wait3A_233] : memref<384x384x384xf32, #tpu.memory_space<hbm>> -> memref<1x32x384xf32, #tpu.memory_space<hbm>>
      %dma_wait3A_235 = tpu.memref_squeeze %dma_wait3A_234 : memref<1x32x384xf32, #tpu.memory_space<hbm>> -> memref<32x384xf32, #tpu.memory_space<hbm>>
      %dma_wait3A_236 = arith.constant 0 : i32
      %dma_wait3A_237 = tpu.memref_slice %arg9[%multiple_of3A_230, %dma_wait3A_236] : memref<192x384xf32, #tpu.memory_space<vmem>> -> memref<32x384xf32, #tpu.memory_space<vmem>>
      %dma_wait3A_238 = arith.constant 0 : i32
      %dma_wait3A_239 = tpu.memref_slice %arg2[%while3A_218, %multiple_of3A_227, %dma_wait3A_238] : memref<384x384x384xf32, #tpu.memory_space<hbm>> -> memref<1x32x384xf32, #tpu.memory_space<hbm>>
      %dma_wait3A_240 = tpu.memref_squeeze %dma_wait3A_239 : memref<1x32x384xf32, #tpu.memory_space<hbm>> -> memref<32x384xf32, #tpu.memory_space<hbm>>
      tpu.wait_dma2 semaphore(%arg12 : memref<!tpu.dma_semaphore, #tpu.memory_space<semaphore_mem>>) src(%dma_wait3A_240 : memref<32x384xf32, #tpu.memory_space<hbm>>) dst(%dma_wait3A_237 : memref<32x384xf32, #tpu.memory_space<vmem>>)
      %add3A_241 = arith.constant 5 : i32
      %add3A_242 = arith.addi %while3A_217, %add3A_241 : i32
      %lt3A = arith.cmpi slt, %add3A_242, %mul3A_33 : i32
      %convert_element_type3A = arith.extui %lt3A : i1 to i32
      %cond3A = arith.constant 0 : i32
      %cond3A_243 = arith.cmpi ne, %convert_element_type3A, %cond3A : i32
      scf.if %cond3A_243 {
        %mul3A_308 = arith.constant 32 : i32
        %mul3A_309 = arith.muli %while3A_221, %mul3A_308 : i32
        %add3A_310 = arith.addi %squeeze3A_31, %mul3A_309 : i32
        %multiple_of3A_311 = tpu.assume_multiple %add3A_310, 8 : i32
        %add3A_312 = arith.constant 5 : i32
        %add3A_313 = arith.addi %while3A_217, %add3A_312 : i32
        %rem3A_314 = arith.constant 6 : i32
        %rem3A_315 = arith.remsi %add3A_313, %rem3A_314 : i32
        %mul3A_316 = arith.constant 32 : i32
        %mul3A_317 = arith.muli %rem3A_315, %mul3A_316 : i32
        %multiple_of3A_318 = tpu.assume_multiple %mul3A_317, 8 : i32
        %dma_start3A_319 = arith.constant 0 : i32
        %dma_start3A_320 = tpu.memref_slice %arg9[%multiple_of3A_318, %dma_start3A_319] : memref<192x384xf32, #tpu.memory_space<vmem>> -> memref<32x384xf32, #tpu.memory_space<vmem>>
        %dma_start3A_321 = arith.constant 0 : i32
        %dma_start3A_322 = tpu.memref_slice %arg2[%while3A_220, %multiple_of3A_311, %dma_start3A_321] : memref<384x384x384xf32, #tpu.memory_space<hbm>> -> memref<1x32x384xf32, #tpu.memory_space<hbm>>
        %dma_start3A_323 = tpu.memref_squeeze %dma_start3A_322 : memref<1x32x384xf32, #tpu.memory_space<hbm>> -> memref<32x384xf32, #tpu.memory_space<hbm>>
        %dma_start3A_324 = arith.constant 0 : i32
        %dma_start3A_325 = tpu.memref_slice %arg9[%multiple_of3A_318, %dma_start3A_324] : memref<192x384xf32, #tpu.memory_space<vmem>> -> memref<32x384xf32, #tpu.memory_space<vmem>>
        %dma_start3A_326 = arith.constant 0 : i32
        %dma_start3A_327 = tpu.memref_slice %arg2[%while3A_220, %multiple_of3A_311, %dma_start3A_326] : memref<384x384x384xf32, #tpu.memory_space<hbm>> -> memref<1x32x384xf32, #tpu.memory_space<hbm>>
        %dma_start3A_328 = tpu.memref_squeeze %dma_start3A_327 : memref<1x32x384xf32, #tpu.memory_space<hbm>> -> memref<32x384xf32, #tpu.memory_space<hbm>>
        tpu.enqueue_dma source(%dma_start3A_328 : memref<32x384xf32, #tpu.memory_space<hbm>>) target(%dma_start3A_325 : memref<32x384xf32, #tpu.memory_space<vmem>>) target_semaphore(%arg12 : memref<!tpu.dma_semaphore, #tpu.memory_space<semaphore_mem>>)
      } else {
      }
      %mul3A_244 = arith.constant 16 : i32
      %mul3A_245 = arith.muli %while3A_219, %mul3A_244 : i32
      %get3A_246 = arith.index_cast %mul3A_245 : i32 to index
      %get3A_247 = tpu.vector_load %arg11[%get3A_246] {strides = array<i32>} : memref<256xi32, #tpu.memory_space<vmem>>, vector<16xi32>,
      %slice3A_248 = vector.extract_strided_slice %get3A_247 {offsets = [0], sizes = [1], strides = [1]} : vector<16xi32> to vector<1xi32>
      %squeeze3A_249 = vector.extract %slice3A_248[0] : i32 from vector<1xi32>
      %slice3A_250 = vector.extract_strided_slice %get3A_247 {offsets = [1], sizes = [1], strides = [1]} : vector<16xi32> to vector<1xi32>
      %squeeze3A_251 = vector.extract %slice3A_250[0] : i32 from vector<1xi32>
      %slice3A_252 = vector.extract_strided_slice %get3A_247 {offsets = [2], sizes = [1], strides = [1]} : vector<16xi32> to vector<1xi32>
      %squeeze3A_253 = vector.extract %slice3A_252[0] : i32 from vector<1xi32>
      %slice3A_254 = vector.extract_strided_slice %get3A_247 {offsets = [3], sizes = [1], strides = [1]} : vector<16xi32> to vector<1xi32>
      %squeeze3A_255 = vector.extract %slice3A_254[0] : i32 from vector<1xi32>
      %mul3A_256 = arith.constant 32 : i32
      %mul3A_257 = arith.muli %while3A_219, %mul3A_256 : i32
      %add3A_258 = arith.addi %squeeze3A_31, %mul3A_257 : i32
      %mul3A_259 = arith.constant 32 : i32
      %mul3A_260 = arith.muli %rem3A_223, %mul3A_259 : i32
      %sub3A_261 = arith.subi %add3A_258, %mul3A_260 : i32
      %rem3A_262 = arith.constant 2 : i32
      %rem3A_263 = arith.remsi %while3A_218, %rem3A_262 : i32
      %mul3A_264 = arith.constant 9216 : i32
      %mul3A_265 = arith.muli %rem3A_263, %mul3A_264 : i32
      %eq3A = arith.constant 0 : i32
      %eq3A_266 = arith.cmpi eq, %while3A_219, %eq3A : i32
      %add3A_267 = arith.constant 2 : i32
      %add3A_268 = arith.addi %mul3A_20, %add3A_267 : i32
      %ge3A_269 = arith.cmpi sge, %while3A_218, %add3A_268 : i32
      %and3A_270 = arith.andi %eq3A_266, %ge3A_269 : i1
      %convert_element_type3A_271 = arith.extui %and3A_270 : i1 to i32
      %cond3A_272 = arith.constant 0 : i32
      %cond3A_273 = arith.cmpi ne, %convert_element_type3A_271, %cond3A_272 : i32
      scf.if %cond3A_273 {
        %multiple_of3A_308 = tpu.assume_multiple %mul3A_265, 8 : i32
        %sub3A_309 = arith.constant 2 : i32
        %sub3A_310 = arith.subi %while3A_218, %sub3A_309 : i32
        %mul3A_311 = arith.constant 8 : i32
        %mul3A_312 = arith.muli %sub3A_310, %mul3A_311 : i32
        %add3A_313 = arith.addi %mul3A_312, %rem3A_18 : i32
        %mul3A_314 = arith.constant 9216 : i32
        %mul3A_315 = arith.muli %add3A_313, %mul3A_314 : i32
        %multiple_of3A_316 = tpu.assume_multiple %mul3A_315, 8 : i32
        %dma_wait3A_317 = tpu.memref_slice %arg10[%multiple_of3A_308] : memref<18432xf32, #tpu.memory_space<vmem>> -> memref<9216xf32, #tpu.memory_space<vmem>>
        %dma_wait3A_318 = tpu.memref_slice %arg6[%multiple_of3A_316] : memref<28311552xf32, #tpu.memory_space<hbm>> -> memref<9216xf32, #tpu.memory_space<hbm>>
        %dma_wait3A_319 = tpu.memref_slice %arg6[%multiple_of3A_316] : memref<28311552xf32, #tpu.memory_space<hbm>> -> memref<9216xf32, #tpu.memory_space<hbm>>
        %dma_wait3A_320 = tpu.memref_slice %arg10[%multiple_of3A_308] : memref<18432xf32, #tpu.memory_space<vmem>> -> memref<9216xf32, #tpu.memory_space<vmem>>
        tpu.wait_dma2 semaphore(%arg13 : memref<!tpu.dma_semaphore, #tpu.memory_space<semaphore_mem>>) src(%dma_wait3A_320 : memref<9216xf32, #tpu.memory_space<vmem>>) dst(%dma_wait3A_319 : memref<9216xf32, #tpu.memory_space<hbm>>)
      } else {
      }
      %lt3A_274 = arith.cmpi slt, %squeeze3A_249, %squeeze3A_251 : i32
      %convert_element_type3A_275 = arith.extui %lt3A_274 : i1 to i32
      %cond3A_276 = arith.constant 0 : i32
      %cond3A_277 = arith.cmpi ne, %convert_element_type3A_275, %cond3A_276 : i32
      scf.if %cond3A_277 {
        %mul3A_308 = arith.constant 16 : i32
        %mul3A_309 = arith.muli %squeeze3A_249, %mul3A_308 : i32
        %get3A_310 = arith.index_cast %mul3A_309 : i32 to index
        %get3A_311 = tpu.vector_load %arg7[%get3A_310] {strides = array<i32>} : memref<9216xi32, #tpu.memory_space<vmem>>, vector<16xi32>,
        %mul3A_312 = arith.constant 16 : i32
        %mul3A_313 = arith.muli %squeeze3A_249, %mul3A_312 : i32
        %get3A_314 = arith.index_cast %mul3A_313 : i32 to index
        %get3A_315 = tpu.vector_load %arg8[%get3A_314] {strides = array<i32>} : memref<9216xi32, #tpu.memory_space<vmem>>, vector<16xi32>,
        %ge3A_316 = vector.broadcast %add3A_258 : i32 to vector<16xi32>
        %ge3A_317 = arith.cmpi sge, %get3A_311, %ge3A_316 : vector<16xi32>
        %add3A_318 = arith.constant 32 : i32
        %add3A_319 = arith.addi %add3A_258, %add3A_318 : i32
        %lt3A_320 = vector.broadcast %add3A_319 : i32 to vector<16xi32>
        %lt3A_321 = arith.cmpi slt, %get3A_311, %lt3A_320 : vector<16xi32>
        %and3A_322 = arith.andi %ge3A_317, %lt3A_321 : vector<16xi1>
        %sub3A_323 = vector.broadcast %sub3A_261 : i32 to vector<16xi32>
        %sub3A_324 = arith.subi %get3A_311, %sub3A_323 : vector<16xi32>
        %mul3A_325 = arith.constant 32 : i32
        %mul3A_326 = arith.muli %rem3A_223, %mul3A_325 : i32
        %max3A = vector.broadcast %mul3A_326 : i32 to vector<16xi32>
        %max3A_327 = arith.maxsi %sub3A_324, %max3A : vector<16xi32>
        %mul3A_328 = arith.constant 32 : i32
        %mul3A_329 = arith.muli %rem3A_223, %mul3A_328 : i32
        %add3A_330 = arith.constant 31 : i32
        %add3A_331 = arith.addi %mul3A_329, %add3A_330 : i32
        %min3A_332 = vector.broadcast %add3A_331 : i32 to vector<16xi32>
        %min3A_333 = arith.minsi %max3A_327, %min3A_332 : vector<16xi32>
        %gather3A = tpu.vector_load_idx %arg9[%min3A_333, %get3A_315] masked %and3A_322 : memref<192x384xf32, #tpu.memory_space<vmem>>[vector<16xi32>, vector<16xi32>], vector<16xf32>, vector<16xi1>
        %mul3A_334 = arith.constant 16 : i32
        %mul3A_335 = arith.muli %squeeze3A_249, %mul3A_334 : i32
        %add3A_336 = arith.addi %mul3A_265, %mul3A_335 : i32
        %get3A_337 = arith.index_cast %add3A_336 : i32 to index
        %get3A_338 = tpu.vector_load %arg10[%get3A_337] {strides = array<i32>} : memref<18432xf32, #tpu.memory_space<vmem>>, vector<16xf32>,
        %select_n3A_339 = arith.select %and3A_322, %gather3A, %get3A_338 : vector<16xi1>, vector<16xf32>
        %mul3A_340 = arith.constant 16 : i32
        %mul3A_341 = arith.muli %squeeze3A_249, %mul3A_340 : i32
        %add3A_342 = arith.addi %mul3A_265, %mul3A_341 : i32
        %swap3A = arith.index_cast %add3A_342 : i32 to index
        %swap3A_343 = tpu.vector_load %arg10[%swap3A] {strides = array<i32>} : memref<18432xf32, #tpu.memory_space<vmem>>, vector<16xf32>,
        tpu.vector_store %arg10[%swap3A], %select_n3A_339 {strides = array<i32>} : memref<18432xf32, #tpu.memory_space<vmem>>, vector<16xf32>,
      } else {
      }
      %lt3A_278 = arith.cmpi slt, %squeeze3A_253, %squeeze3A_255 : i32
      %convert_element_type3A_279 = arith.extui %lt3A_278 : i1 to i32
      %cond3A_280 = arith.constant 0 : i32
      %cond3A_281 = arith.cmpi ne, %convert_element_type3A_279, %cond3A_280 : i32
      scf.if %cond3A_281 {
        %mul3A_308 = arith.constant 16 : i32
        %mul3A_309 = arith.muli %squeeze3A_253, %mul3A_308 : i32
        %get3A_310 = arith.index_cast %mul3A_309 : i32 to index
        %get3A_311 = tpu.vector_load %arg7[%get3A_310] {strides = array<i32>} : memref<9216xi32, #tpu.memory_space<vmem>>, vector<16xi32>,
        %mul3A_312 = arith.constant 16 : i32
        %mul3A_313 = arith.muli %squeeze3A_253, %mul3A_312 : i32
        %get3A_314 = arith.index_cast %mul3A_313 : i32 to index
        %get3A_315 = tpu.vector_load %arg8[%get3A_314] {strides = array<i32>} : memref<9216xi32, #tpu.memory_space<vmem>>, vector<16xi32>,
        %ge3A_316 = vector.broadcast %add3A_258 : i32 to vector<16xi32>
        %ge3A_317 = arith.cmpi sge, %get3A_311, %ge3A_316 : vector<16xi32>
        %add3A_318 = arith.constant 32 : i32
        %add3A_319 = arith.addi %add3A_258, %add3A_318 : i32
        %lt3A_320 = vector.broadcast %add3A_319 : i32 to vector<16xi32>
        %lt3A_321 = arith.cmpi slt, %get3A_311, %lt3A_320 : vector<16xi32>
        %and3A_322 = arith.andi %ge3A_317, %lt3A_321 : vector<16xi1>
        %sub3A_323 = vector.broadcast %sub3A_261 : i32 to vector<16xi32>
        %sub3A_324 = arith.subi %get3A_311, %sub3A_323 : vector<16xi32>
        %mul3A_325 = arith.constant 32 : i32
        %mul3A_326 = arith.muli %rem3A_223, %mul3A_325 : i32
        %max3A = vector.broadcast %mul3A_326 : i32 to vector<16xi32>
        %max3A_327 = arith.maxsi %sub3A_324, %max3A : vector<16xi32>
        %mul3A_328 = arith.constant 32 : i32
        %mul3A_329 = arith.muli %rem3A_223, %mul3A_328 : i32
        %add3A_330 = arith.constant 31 : i32
        %add3A_331 = arith.addi %mul3A_329, %add3A_330 : i32
        %min3A_332 = vector.broadcast %add3A_331 : i32 to vector<16xi32>
        %min3A_333 = arith.minsi %max3A_327, %min3A_332 : vector<16xi32>
        %gather3A = tpu.vector_load_idx %arg9[%min3A_333, %get3A_315] masked %and3A_322 : memref<192x384xf32, #tpu.memory_space<vmem>>[vector<16xi32>, vector<16xi32>], vector<16xf32>, vector<16xi1>
        %mul3A_334 = arith.constant 16 : i32
        %mul3A_335 = arith.muli %squeeze3A_253, %mul3A_334 : i32
        %add3A_336 = arith.addi %mul3A_265, %mul3A_335 : i32
        %get3A_337 = arith.index_cast %add3A_336 : i32 to index
        %get3A_338 = tpu.vector_load %arg10[%get3A_337] {strides = array<i32>} : memref<18432xf32, #tpu.memory_space<vmem>>, vector<16xf32>,
        %select_n3A_339 = arith.select %and3A_322, %gather3A, %get3A_338 : vector<16xi1>, vector<16xf32>
        %mul3A_340 = arith.constant 16 : i32
        %mul3A_341 = arith.muli %squeeze3A_253, %mul3A_340 : i32
        %add3A_342 = arith.addi %mul3A_265, %mul3A_341 : i32
        %swap3A = arith.index_cast %add3A_342 : i32 to index
        %swap3A_343 = tpu.vector_load %arg10[%swap3A] {strides = array<i32>} : memref<18432xf32, #tpu.memory_space<vmem>>, vector<16xf32>,
        tpu.vector_store %arg10[%swap3A], %select_n3A_339 {strides = array<i32>} : memref<18432xf32, #tpu.memory_space<vmem>>, vector<16xf32>,
      } else {
      }
      %min3A = arith.minsi %squeeze3A_251, %squeeze3A_253 : i32
      %parallel_loop3A = arith.constant 1 : i32
      scf.for %parallel_loop3A_308 = %min3A to %squeeze3A_253 step %parallel_loop3A  : i32 {
        %parallel_loop3A_309 = arith.constant 16 : i32
        %parallel_loop3A_310 = arith.muli %parallel_loop3A_308, %parallel_loop3A_309 : i32
        %parallel_loop3A_311 = arith.index_cast %parallel_loop3A_310 : i32 to index
        %parallel_loop3A_312 = tpu.vector_load %arg7[%parallel_loop3A_311] {strides = array<i32>} : memref<9216xi32, #tpu.memory_space<vmem>>, vector<16xi32>,
        %parallel_loop3A_313 = arith.constant 16 : i32
        %parallel_loop3A_314 = arith.muli %parallel_loop3A_308, %parallel_loop3A_313 : i32
        %parallel_loop3A_315 = arith.index_cast %parallel_loop3A_314 : i32 to index
        %parallel_loop3A_316 = tpu.vector_load %arg8[%parallel_loop3A_315] {strides = array<i32>} : memref<9216xi32, #tpu.memory_space<vmem>>, vector<16xi32>,
        %parallel_loop3A_317 = vector.broadcast %sub3A_261 : i32 to vector<16xi32>
        %parallel_loop3A_318 = arith.subi %parallel_loop3A_312, %parallel_loop3A_317 : vector<16xi32>
        %parallel_loop3A_319 = tpu.vector_load_idx %arg9[%parallel_loop3A_318, %parallel_loop3A_316] : memref<192x384xf32, #tpu.memory_space<vmem>>[vector<16xi32>, vector<16xi32>], vector<16xf32>,
        %parallel_loop3A_320 = arith.constant 16 : i32
        %parallel_loop3A_321 = arith.muli %parallel_loop3A_308, %parallel_loop3A_320 : i32
        %parallel_loop3A_322 = arith.addi %mul3A_265, %parallel_loop3A_321 : i32
        %parallel_loop3A_323 = arith.index_cast %parallel_loop3A_322 : i32 to index
        %parallel_loop3A_324 = tpu.vector_load %arg10[%parallel_loop3A_323] {strides = array<i32>} : memref<18432xf32, #tpu.memory_space<vmem>>, vector<16xf32>,
        tpu.vector_store %arg10[%parallel_loop3A_323], %parallel_loop3A_319 {strides = array<i32>} : memref<18432xf32, #tpu.memory_space<vmem>>, vector<16xf32>,
      } {sc.loop_unroll_factor = 8 : i64, sc.parallel_access}
      %add3A_282 = arith.constant 1 : i32
      %add3A_283 = arith.addi %while3A_219, %add3A_282 : i32
      %ge3A_284 = arith.cmpi sge, %add3A_283, %squeeze3A : i32
      %convert_element_type3A_285 = arith.extui %ge3A_284 : i1 to i32
      %cond3A_286 = arith.constant 0 : i32
      %cond3A_287 = arith.cmpi ne, %convert_element_type3A_285, %cond3A_286 : i32
      scf.if %cond3A_287 {
        %multiple_of3A_308 = tpu.assume_multiple %mul3A_265, 8 : i32
        %mul3A_309 = arith.constant 8 : i32
        %mul3A_310 = arith.muli %while3A_218, %mul3A_309 : i32
        %add3A_311 = arith.addi %mul3A_310, %rem3A_18 : i32
        %mul3A_312 = arith.constant 9216 : i32
        %mul3A_313 = arith.muli %add3A_311, %mul3A_312 : i32
        %multiple_of3A_314 = tpu.assume_multiple %mul3A_313, 8 : i32
        %dma_start3A_315 = tpu.memref_slice %arg10[%multiple_of3A_308] : memref<18432xf32, #tpu.memory_space<vmem>> -> memref<9216xf32, #tpu.memory_space<vmem>>
        %dma_start3A_316 = tpu.memref_slice %arg6[%multiple_of3A_314] : memref<28311552xf32, #tpu.memory_space<hbm>> -> memref<9216xf32, #tpu.memory_space<hbm>>
        %dma_start3A_317 = tpu.memref_slice %arg6[%multiple_of3A_314] : memref<28311552xf32, #tpu.memory_space<hbm>> -> memref<9216xf32, #tpu.memory_space<hbm>>
        %dma_start3A_318 = tpu.memref_slice %arg10[%multiple_of3A_308] : memref<18432xf32, #tpu.memory_space<vmem>> -> memref<9216xf32, #tpu.memory_space<vmem>>
        tpu.enqueue_dma source(%dma_start3A_318 : memref<9216xf32, #tpu.memory_space<vmem>>) target(%dma_start3A_317 : memref<9216xf32, #tpu.memory_space<hbm>>) target_semaphore(%arg13 : memref<!tpu.dma_semaphore, #tpu.memory_space<semaphore_mem>>)
      } else {
      }
      %add3A_288 = arith.constant 1 : i32
      %add3A_289 = arith.addi %while3A_219, %add3A_288 : i32
      %ge3A_290 = arith.cmpi sge, %add3A_289, %squeeze3A : i32
      %add3A_291 = arith.constant 1 : i32
      %add3A_292 = arith.addi %while3A_218, %add3A_291 : i32
      %select_n3A_293 = arith.select %ge3A_290, %add3A_292, %while3A_218 : i32
      %add3A_294 = arith.constant 1 : i32
      %add3A_295 = arith.addi %while3A_219, %add3A_294 : i32
      %jit3A_296 = arith.constant 0 : i32
      %select_n3A_297 = arith.select %ge3A_290, %jit3A_296, %add3A_295 : i32
      %add3A_298 = arith.constant 1 : i32
      %add3A_299 = arith.addi %while3A_221, %add3A_298 : i32
      %ge3A_300 = arith.cmpi sge, %add3A_299, %squeeze3A : i32
      %add3A_301 = arith.constant 1 : i32
      %add3A_302 = arith.addi %while3A_220, %add3A_301 : i32
      %select_n3A_303 = arith.select %ge3A_300, %add3A_302, %while3A_220 : i32
      %add3A_304 = arith.constant 1 : i32
      %add3A_305 = arith.addi %while3A_221, %add3A_304 : i32
      %jit3A_306 = arith.constant 0 : i32
      %select_n3A_307 = arith.select %ge3A_300, %jit3A_306, %add3A_305 : i32
      scf.yield %select_n3A_293, %select_n3A_297, %select_n3A_303, %select_n3A_307 : i32, i32, i32, i32
    }
    %add3A_186 = arith.constant 96 : i32
    %add3A_187 = arith.addi %mul3A_20, %add3A_186 : i32
    %sub3A_188 = arith.constant 2 : i32
    %sub3A_189 = arith.subi %add3A_187, %sub3A_188 : i32
    %mul3A_190 = arith.constant 8 : i32
    %mul3A_191 = arith.muli %sub3A_189, %mul3A_190 : i32
    %add3A_192 = arith.addi %mul3A_191, %rem3A_18 : i32
    %mul3A_193 = arith.constant 9216 : i32
    %mul3A_194 = arith.muli %add3A_192, %mul3A_193 : i32
    %multiple_of3A_195 = tpu.assume_multiple %mul3A_194, 8 : i32
    %dma_wait3A = arith.constant 0 : i32
    %dma_wait3A_196 = tpu.memref_slice %arg10[%dma_wait3A] : memref<18432xf32, #tpu.memory_space<vmem>> -> memref<9216xf32, #tpu.memory_space<vmem>>
    %dma_wait3A_197 = tpu.memref_slice %arg6[%multiple_of3A_195] : memref<28311552xf32, #tpu.memory_space<hbm>> -> memref<9216xf32, #tpu.memory_space<hbm>>
    %dma_wait3A_198 = tpu.memref_slice %arg6[%multiple_of3A_195] : memref<28311552xf32, #tpu.memory_space<hbm>> -> memref<9216xf32, #tpu.memory_space<hbm>>
    %dma_wait3A_199 = arith.constant 0 : i32
    %dma_wait3A_200 = tpu.memref_slice %arg10[%dma_wait3A_199] : memref<18432xf32, #tpu.memory_space<vmem>> -> memref<9216xf32, #tpu.memory_space<vmem>>
    tpu.wait_dma2 semaphore(%arg13 : memref<!tpu.dma_semaphore, #tpu.memory_space<semaphore_mem>>) src(%dma_wait3A_200 : memref<9216xf32, #tpu.memory_space<vmem>>) dst(%dma_wait3A_198 : memref<9216xf32, #tpu.memory_space<hbm>>)
    %add3A_201 = arith.constant 96 : i32
    %add3A_202 = arith.addi %mul3A_20, %add3A_201 : i32
    %sub3A_203 = arith.constant 1 : i32
    %sub3A_204 = arith.subi %add3A_202, %sub3A_203 : i32
    %mul3A_205 = arith.constant 8 : i32
    %mul3A_206 = arith.muli %sub3A_204, %mul3A_205 : i32
    %add3A_207 = arith.addi %mul3A_206, %rem3A_18 : i32
    %mul3A_208 = arith.constant 9216 : i32
    %mul3A_209 = arith.muli %add3A_207, %mul3A_208 : i32
    %multiple_of3A_210 = tpu.assume_multiple %mul3A_209, 8 : i32
    %dma_wait3A_211 = arith.constant 9216 : i32
    %dma_wait3A_212 = tpu.memref_slice %arg10[%dma_wait3A_211] : memref<18432xf32, #tpu.memory_space<vmem>> -> memref<9216xf32, #tpu.memory_space<vmem>>
    %dma_wait3A_213 = tpu.memref_slice %arg6[%multiple_of3A_210] : memref<28311552xf32, #tpu.memory_space<hbm>> -> memref<9216xf32, #tpu.memory_space<hbm>>
    %dma_wait3A_214 = tpu.memref_slice %arg6[%multiple_of3A_210] : memref<28311552xf32, #tpu.memory_space<hbm>> -> memref<9216xf32, #tpu.memory_space<hbm>>
    %dma_wait3A_215 = arith.constant 9216 : i32
    %dma_wait3A_216 = tpu.memref_slice %arg10[%dma_wait3A_215] : memref<18432xf32, #tpu.memory_space<vmem>> -> memref<9216xf32, #tpu.memory_space<vmem>>
    tpu.wait_dma2 semaphore(%arg13 : memref<!tpu.dma_semaphore, #tpu.memory_space<semaphore_mem>>) src(%dma_wait3A_216 : memref<9216xf32, #tpu.memory_space<vmem>>) dst(%dma_wait3A_214 : memref<9216xf32, #tpu.memory_space<hbm>>)
    return
  }
}

</mosaic_0001>

<sc_bundles>
// kernel: kernel.3.cloned.1.call-start
scs
__scs_entry_jumppad:
0x0: {  	(pc) =	sbr.rel $0x88, $3  }
0x1: {  	(tag) =	ssettag $0x0;
	lr =	simm.s32 $0x1  }
0x2: {  	[smem:$0x3F9F] =	sst lr;
	_ =	strace $0xD0000000  }
0x3: {  	_ = 	snop  }
0x4: {  	_ = 	snop  }
0x5: {  	_ = 	snop  }
0x6: {  	_ = 	snop  }
0x7: {  	_ = 	snop  }
__scs_overlays_trampoline_lowered:
0x8: {  	[smem:$0x3FAE] =	sst s0  }
0x9: {  	[smem:$0x3FAF] =	sst s1  }
0xa: {  	[smem:$0x3FB0] =	sst s2  }
0xb: {  	[smem:$0x3FB1] =	sst s3  }
0xc: {  	[smem:$0x3FB2] =	sst s4  }
0xd: {  	[smem:$0x3FB3] =	sst s5  }
0xe: {  	[smem:$0x3FB4] =	sst s6  }
0xf: {  	[smem:$0x3FB5] =	sst s7  }
0x10: {  	[smem:$0x3FB6] =	sst s8  }
0x11: {  	[smem:$0x3FB7] =	sst s9;
	s0 =	simm.s32 @!p0 $0x0  }
0x12: {  	s1 =	sld [smem:$0x3F9D];
	s0 =	simm.s32 @p0 $0x1  }
0x13: {  	[smem:$0x3FB8] =	sst s0;
	s0 =	simm.s32 @!p1 $0x0  }
0x14: {  	s2 =	sld [smem:$0x3F9C];
	s0 =	simm.s32 @p1 $0x1  }
0x15: {  	[smem:$0x3FB9] =	sst s0;
	s0 =	simm.s32 @!p2 $0x0  }
0x16: {  	s3 =	sld [smem:$0x3FDB];
	s0 =	simm.s32 @p2 $0x1  }
0x17: {  	s4 =	simm.s32 $0x1BF5;
	[smem:$0x3FBB] =	sst s0  }
0x18: {  	s0 =	sld [smem:$0x3F9E];
	_ =	swait.ge [sflag:s4], $0x0  }
0x19: {  	s7 =	sld [smem:$0x3F9F]  }
0x1a: {  	s8 =	sadd.s32 $0xFFFFE003, lr  }
0x1b: {  	s9 =	sadd.s32 $0xFFFFFEF7, lr;
	s5 =	simm.s32 $0xFFFFFFFF;
	p2 =	slt.u32 s8, $0xFFFFF086  }
0x1c: {  	p1 =	slt.u32 s9, $0xF7A;
	s5 =	simm.s32 @!p2 $0x0  }
0x1d: {  	s5 =	simm.s32 @p1 $0x1;
	p0 =	seq.s32 s7, s2  }
0x1e: {  	s7 =	smul.u32 @!p0 $0xF7A, s2;
	p2 =	seq.s32 @!p0 s5, $0x0  }
0x1f: {  	s9 =	smul.u32 $0xF7A, s1;
	s8 =	simm.s32 @!p0 $0x1BF5;
	p2 =	por !p2, p0  }
0x20: {  	[sflag:s8] =	ssyncset.s32 @!p0 $0xFFFFF086;
	s6 =	sadd.s32 @!p0 s3, s7;
	s7 =	simm.s32 @!p0 $0x108  }
0x21: {  	s3 =	sadd.s32 s3, s9;
	s6 =	sadd.s32 @!p0 $0x88, s6;
	s7 =	simm.s32 @p2 $0x1082  }
0x22: {  	[simem:s7], [sflag:s8] =	dma.local @!p0 [hbm:s6], $0xF7A  }
0x23: {  	s9 =	sor.u32 $0xD0000000, s2;
	s6 =	simm.s32 $0x108;
	_ =	swait.ge @!p0 [sflag:s8], $0x0  }
0x24: {  	s3 =	sadd.s32 $0x88, s3;
	s6 =	simm.s32 @!p1 $0x1082;
	[sflag:s4] =	ssyncset.s32 $0xFFFFF086  }
0x25: {  	[simem:s6], [sflag:s4] =	dma.local [hbm:s3], $0xF7A  }
0x26: {  	[smem:$0x3F9F] =	sst s1;
	(tag) =	ssettag s2;
	_ =	strace s9  }
0x27: {  	s1 =	sld [smem:$0x3FAF]  }
0x28: {  	s2 =	sld [smem:$0x3FB0]  }
0x29: {  	s4 =	sld [smem:$0x3FB2]  }
0x2a: {  	p0 =	seq.s32 s5, $0x0;
	s5 =	sld [smem:$0x3FB3]  }
0x2b: {  	s6 =	sld [smem:$0x3FB4]  }
0x2c: {  	s7 =	sld [smem:$0x3FB5]  }
0x2d: {  	s3 =	simm.s32 $0x108;
	s8 =	sld [smem:$0x3FB6]  }
0x2e: {  	s3 =	simm.s32 @!p0 $0x1082;
	s9 =	sld [smem:$0x3FB7]  }
0x2f: {  	lr =	sadd.s32 s0, s3;
	s0 =	sld [smem:$0x3FAE]  }
0x30: {  	s3 =	sld [smem:$0x3FB1]  }
0x31: {  	[smem:$0x3FBA] =	sst s10  }
0x32: {  	s10 =	sld [smem:$0x3FB8];
	_ =	sdelay $0x3  }
0x33: {  	p0 =	seq.s32 s10, $0x1;
	s10 =	sld [smem:$0x3FBA];
	_ =	sdelay $0x3  }
0x34: {  	[smem:$0x3FBA] =	sst s10  }
0x35: {  	s10 =	sld [smem:$0x3FB9];
	_ =	sdelay $0x3  }
0x36: {  	p1 =	seq.s32 s10, $0x1;
	s10 =	sld [smem:$0x3FBA];
	_ =	sdelay $0x3  }
0x37: {  	[smem:$0x3FBA] =	sst s10  }
0x38: {  	s10 =	sld [smem:$0x3FBB]  }
0x39: {  	_ = 	snop;
	(pc) =	sbr.ind lr, $3  }
0x3a: {  	_ = 	snop  }
0x3b: {  	_ = 	snop  }
0x3c: {  	p2 =	seq.s32 s10, $0x1;
	s10 =	sld [smem:$0x3FBA]  }
0x3d: {  	_ =	shalt  }
0x3e: {  	_ =	shalt  }
0x3f: {  	_ =	shalt  }
0x40: {  	_ =	shalt  }
0x41: {  	_ =	shalt  }
0x42: {  	_ =	shalt  }
0x43: {  	_ =	shalt  }
0x44: {  	_ =	shalt  }
0x45: {  	_ =	shalt  }
0x46: {  	_ =	shalt  }
0x47: {  	_ =	shalt  }
0x48: {  	_ =	shalt  }
0x49: {  	_ =	shalt  }
0x4a: {  	_ =	shalt  }
0x4b: {  	_ =	shalt  }
0x4c: {  	_ =	shalt  }
0x4d: {  	_ =	shalt  }
0x4e: {  	_ =	shalt  }
0x4f: {  	_ =	shalt  }
0x50: {  	_ =	shalt  }
0x51: {  	_ =	shalt  }
0x52: {  	_ =	shalt  }
0x53: {  	_ =	shalt  }
0x54: {  	_ =	shalt  }
0x55: {  	_ =	shalt  }
0x56: {  	_ =	shalt  }
0x57: {  	_ =	shalt  }
0x58: {  	_ =	shalt  }
0x59: {  	_ =	shalt  }
0x5a: {  	_ =	shalt  }
0x5b: {  	_ =	shalt  }
0x5c: {  	_ =	shalt  }
0x5d: {  	_ =	shalt  }
0x5e: {  	_ =	shalt  }
0x5f: {  	_ =	shalt  }
0x60: {  	_ =	shalt  }
0x61: {  	_ =	shalt  }
0x62: {  	_ =	shalt  }
0x63: {  	_ =	shalt  }
0x64: {  	_ =	shalt  }
0x65: {  	_ =	shalt  }
0x66: {  	_ =	shalt  }
0x67: {  	_ =	shalt  }
0x68: {  	_ =	shalt  }
0x69: {  	_ =	shalt  }
0x6a: {  	_ =	shalt  }
0x6b: {  	_ =	shalt  }
0x6c: {  	_ =	shalt  }
0x6d: {  	_ =	shalt  }
0x6e: {  	_ =	shalt  }
0x6f: {  	_ =	shalt  }
0x70: {  	_ =	shalt  }
0x71: {  	_ =	shalt  }
0x72: {  	_ =	shalt  }
0x73: {  	_ =	shalt  }
0x74: {  	_ =	shalt  }
0x75: {  	_ =	shalt  }
0x76: {  	_ =	shalt  }
0x77: {  	_ =	shalt  }
0x78: {  	_ =	shalt  }
0x79: {  	_ =	shalt  }
0x7a: {  	_ =	shalt  }
0x7b: {  	_ =	shalt  }
0x7c: {  	_ =	shalt  }
0x7d: {  	_ =	shalt  }
0x7e: {  	_ =	shalt  }
0x7f: {  	_ =	shalt  }
0x80: {  	_ =	shalt  }
0x81: {  	_ =	shalt  }
0x82: {  	_ =	shalt  }
0x83: {  	_ =	shalt  }
0x84: {  	_ =	shalt  }
0x85: {  	_ =	shalt  }
0x86: {  	_ =	shalt  }
0x87: {  	_ =	shalt  }
.Lfunc_end0:
.L_simem_size_0:
called_computation_lowered:
.L_overlay_start_0:
0x88: {  	s2 =	sld [smem:$0x3FD9]  }
0x89: {  	s3 =	sld [smem:$0x3FFE];
	_ =	sdelay $0x1  }
0x8a: {  	s1 =	srdreg.scid  }
0x8b: {  	s0 =	sand.u32 $0x1, s1  }
0x8c: {  	s17 =	sshll.u32 s0, $0xA;
	s2 =	sadd.s32 s3, s2  }
0x8d: {  	s2 =	sadd.s32 s2, s17  }
0x8e: {  	[smem:$0x3FC6] =	sst s2  }
0x8f: {  	_ = 	snop  }
0x90: {  	s2 =	sld [smem:$0x3FC9]  }
0x91: {  	s18 =	sld [smem:$0x3FD0];
	(tm) =	ssettm $0x1  }
0x92: {  	s4 =	sld [smem:$0x3FFB];
	_ =	sdelay $0x3  }
0x93: {  	_ =	strace s4  }
0x94: {  	s4 =	sld [smem:$0x3FFC];
	_ =	sdelay $0x3  }
0x95: {  	_ =	strace s4  }
0x96: {  	s4 =	sld [smem:$0x3FFD];
	_ =	sdelay $0x3  }
0x97: {  	_ =	strace s4  }
0x98: {  	_ =	strace $0x8FFFFFFF  }
0x99: {  	s19 =	sld [smem:$0x3FDB];
	_ =	sdelay $0x1  }
0x9a: {  	s5 =	simm.s32 $_scs_section_size  }
0x9b: {  	s6 =	simm.s32 $_size__tile_overlayer_lowered;
	s7 =	simm.s32 $_tile_overlayer_lowered  }
0x9c: {  	s22 =	simm.s32 $0x1BFF;
	s21 =	sshll.u32 s7, $0x1;
	s4 =	sadd.s32 s5, s19  }
0x9d: {  	s8 =	simm.s32 $0x0;
	s20 =	sshll.u32 s6, $0x1;
	s6 =	sadd.s32 s21, s4  }
0x9e: {  	[timem:s8], [sflag:s22] =	dma.local [hbm:s6], s20  }
0x9f: {  	_ =	swait.ge [sflag:s22], s20  }
0xa0: {  	s5 =	ssub.s32 $0x0, s20;
	[sflag:s22] =	ssyncset.done $0x0  }
0xa1: {  	[sflag:s22] =	ssyncadd.s32 s5;
	_ =	sdelay $0x1  }
0xa2: {  	s23 =	simm.s32 $0x1B8B  }
0xa3: {  	_ =	swait.ge [sflag:s23], $0x1  }
0xa4: {  	[sflag:s23] =	ssyncset.done $0x0  }
0xa5: {  	s25 =	simm.s32 $0x1B8E;
	s24 =	sld [smem:$0x3FFE];
	[sflag:s23] =	ssyncadd.s32 $0xFFFFFFFF  }
0xa6: {  	s26 =	simm.s32 $execute0_lowered;
	[smem:$0x3FD2] =	sst s25  }
0xa7: {  	s6 =	sshll.u32 s26, $0x1;
	_ =	strace $0x80000046;
	[dreg:$0x1] =	wrdreg $0xFFFFFFFF  }
0xa8: {  	s28 =	simm.s32 $_size_execute0_lowered;
	s4 =	sadd.s32 s4, s6;
	[dreg:$0x0] =	wrdreg $0x0  }
0xa9: {  	s6 =	sshll.u32 s28, $0x1;
	[dreg:$0x2] =	wrdreg s4  }
0xaa: {  	[dreg:$0x3] =	wrdreg s6  }
0xab: {  	[dreg:$0x4] =	wrdreg $0xC0  }
0xac: {  	_ =	task [dreg:s8], $0x5FFFF  }
0xad: {  	[dreg:$0x1] =	wrdreg $0xFFFFFFFF  }
0xae: {  	[dreg:$0x0] =	wrdreg $0x60  }
0xaf: {  	[dreg:$0x2] =	wrdreg s2  }
0xb0: {  	[dreg:$0x3] =	wrdreg s24  }
0xb1: {  	[dreg:$0x4] =	wrdreg s18  }
0xb2: {  	[dreg:$0x5] =	wrdreg $0x9  }
0xb3: {  	_ =	task.clear_ibuf [dreg:s8], $0x6FFFF;
	_ =	strace $0x90000046  }
0xb4: {  	s29 =	simm.s32 $0x9;
	_ =	strace $0x80000048  }
0xb5: {  	_ =	swait.ge [sflag:s29], $0x1  }
0xb6: {  	[sflag:s29] =	ssyncadd.s32 $0xFFFFFFFF  }
0xb7: {  	_ =	strace $0x90000048  }
0xb8: {  	_ =	sfence  }
0xb9: {  	s30 =	sld [smem:$0x0];
	_ =	sdelay $0x2  }
0xba: {  	s31 =	sshll.u32 s1, $0xD;
	s1 =	sshrl.u32 s1, $0x2  }
0xbb: {  	s3 =	sand.u32 $0x4000, s31;
	s1 =	sadd.s32 s1, s30  }
0xbc: {  	s0 =	sor.u32 s3, s0;
	s1 =	sshll.u32 s1, $0x11  }
0xbd: {  	s0 =	sor.u32 s1, s0  }
0xbe: {  	s0 =	sadd.s32 $0x8F2B, s0  }
0xbf: {  	[sflag:s0] =	ssyncadd.remote.s32 $0x1  }
0xc0: {  	_ =	sfence.sel $0xFFFF  }
0xc1: {  	[dreg:$0x0] =	wrdreg $0xFFFFFFFF;
	(pc) =	sbr.abs _section_cstart, $3  }
0xc2: {  	[dreg:$0x1] =	wrdreg $0xFFFFFFFF  }
0xc3: {  	_ =	task.clear_ibuf [dreg:s8], $0x2FFFF;
	_ =	strace $0x9FFFFFFF  }
0xc4: {  	(tm) =	ssettm $0x7FFFFFFF  }
0xc5: {  	_ =	shalt  }
tec
execute0_lowered:
.L_overlay_start_1:
0x0: {  	(tag) =	ssettag $0x1  }
0x1: {  	s10 =	rddreg [dreg:$0x0];
	s4 =	stileid.u32  }
0x2: {  	s0 =	rddreg [dreg:$0x1];
	s1 =	srdreg.scid  }
0x3: {  	s3 =	rddreg [dreg:$0x2];
	s5 =	simm.s32 $0x0;
	s2 =	sshll.u32 s4, $0x1  }
0x4: {  	s1 =	sand.u32 $0x1, s1;
	[smem:$0x7FF] =	sst s5;
	s4 =	sshrl.u32 s4, $0x2  }
0x5: {  	s12 =	sadd.s32 $0x2600, s0;
	s2 =	sand.u32 $0x6, s2;
	s30 =	smul.u32 $0xD80000, s4  }
0x6: {  	_ =	strace $0x80000047;
	s7 =	smul.u32 $0x60, s4;
	[dreg:$0x5] =	wrdreg s12  }
0x7: {  	s11 =	sor.u32 s1, s2;
	s1 =	ssub.s32 $0x2, s1;
	[dreg:$0xa] =	wrdreg s30  }
0x8: {  	s2 =	sshll.u32 s11, $0x5;
	s26 =	smul.u32 $0x480, s11;
	[dreg:$0x6] =	wrdreg s7  }
0x9: {  	s13 =	sor.u32 $0x2, s7;
	[dreg:$0x4] =	wrdreg s11;
	s2 =	sadd.s32 s2, s0  }
.Ltmp0:
0xa: {  	[dreg:$0xb] =	wrdreg s13;
	s0 =	sadd.s32 s0, s26;
	(pc) =	sbr.rel .LBB2_1-.Ltmp0, $4  }
0xb: {  	s6 =	sshrl.u32 s1, $0x1;
	s28 =	sadd.s32 s3, s26;
	[dreg:$0x7] =	wrdreg s0  }
0xc: {  	s1 =	ssub.s32 s1, s6;
	s29 =	sadd.s32 $0x2400, s2;
	[dreg:$0x8] =	wrdreg s28  }
0xd: {  	s16 =	simm.s32 $0x4800;
	s31 =	smax.u32 s1, $0x1;
	[dreg:$0x9] =	wrdreg s29  }
0xe: {  	s15 =	simm.s32 $0x1;
	s2 =	simm.s32 $0x0;
	[dreg:$0xc] =	wrdreg s31  }
.LBB2_11:
0xf: {  	s1 =	simm.s32 $0x2  }
0x10: {  	_ =	swait.ge [sflag:s1], $0x2400  }
0x11: {  	[sflag:s1] =	ssyncset.done $0x0  }
0x12: {  	[sflag:s1] =	ssyncadd.s32 $0xFFFFDC00  }
0x13: {  	_ =	swait.ge [sflag:s1], $0x2400  }
0x14: {  	s2 =	rddreg [dreg:$0xd]  }
0x15: {  	s0 =	rddreg [dreg:$0xc];
	s2 =	sadd.s32 $0x1, s2  }
0x16: {  	p0 =	sne.s32 s2, s0  }
.Ltmp1:
0x17: {  	_ = 	snop;
	(pc) =	sbr.rel @!p0 .LBB2_12-.Ltmp1, $3  }
0x18: {  	_ =	sdelay $0x1  }
0x19: {  	[sflag:s1] =	ssyncset.done $0x0  }
0x1a: {  	[sflag:s1] =	ssyncadd.s32 $0xFFFFDC00  }
.LBB2_1:
0x1b: {  	[dreg:$0xd] =	wrdreg s2  }
0x1c: {  	s6 =	simm.s32 $0x0;
	s0 =	rddreg [dreg:$0x7];
	s1 =	simm.s32 $0x3  }
0x1d: {  	[tilespmem:s6], [sflag:$0x3] =	stream.linear.gather [hbm4b:s0+s6], $0x2400, $0x38;
	[tilespmem:$0x1B100] =	vst v63  }
0x1e: {  	_ =	swait.ge [sflag:s1], $0x2400  }
0x1f: {  	[sflag:s1] =	ssyncset.done $0x0  }
0x20: {  	s14 =	simm.s32 $0x2400;
	s9 =	rddreg [dreg:$0x8];
	[sflag:s1] =	ssyncadd.s32 $0xFFFFDC00  }
0x21: {  	[tilespmem:s14], [sflag:$0x3] =	stream.linear.gather [hbm4b:s9+s6], $0x2400, $0x38;
	[tilespmem:$0x1B100] =	vst v63  }
0x22: {  	_ =	swait.ge [sflag:s1], $0x2400  }
0x23: {  	[sflag:s1] =	ssyncset.done $0x0  }
0x24: {  	s18 =	simm.s32 $0x1B000;
	s17 =	rddreg [dreg:$0x9];
	[sflag:s1] =	ssyncadd.s32 $0xFFFFDC00  }
0x25: {  	[tilespmem:s18], [sflag:$0x3] =	stream.linear.gather [hbm4b:s17+s6], $0x100, $0x38;
	[tilespmem:$0x1B100] =	vst v63  }
0x26: {  	_ =	swait.ge [sflag:s1], $0x100  }
0x27: {  	[sflag:s1] =	ssyncset.done $0x0  }
0x28: {  	[sflag:s1] =	ssyncadd.s32 $0xFFFFFF00  }
0x29: {  	v0 =	vld [tilespmem:$0x1B000];
	_ =	sdelay $0x4  }
0x2a: {  	(v2sf) =	vpush v0, $0x4  }
0x2b: {  	(v2sf) =	vpush v0, $0x5;
	_ =	sdelay $0xd  }
0x2c: {  	s17 =	spop (v2sf)  }
0x2d: {  	s18 =	spop (v2sf)  }
0x2e: {  	s19 =	sshrl.u32 s18, $0x3  }
0x2f: {  	s0 =	smul.u32 $0xC00, s19  }
0x30: {  	s20 =	rddreg [dreg:$0xa]  }
0x31: {  	s2 =	simm.s32 $0x2;
	s0 =	sadd.s32 s20, s0  }
0x32: {  	s1 =	simm.s32 $0x20;
	p1 =	sgt.s32 s17, $0x1;
	s0 =	sshrl.u32 s0, $0x3  }
0x33: {  	s3 =	rddreg [dreg:$0x6];
	s1 =	simm.s32 @!p1 $0x0;
	s0 =	sadd.s32 s10, s0  }
0x34: {  	[tilespmem:s16], [sflag:$0x1] =	stream.linear.gather [hbm4b:s0+s6], $0x3000, $0x38;
	[tilespmem:$0x1B100] =	vst v63  }
0x35: {  	p0 =	slt.s32 s17, $0x2;
	s1 =	sadd.s32 s18, s1;
	s0 =	simm.s32 $0x1  }
0x36: {  	s2 =	simm.s32 @!p1 $0x1;
	s1 =	sshrl.u32 s1, $0x3;
	s0 =	simm.s32 @!p0 $0x0  }
0x37: {  	s1 =	smul.u32 $0xC00, s1;
	p0 =	sge.s32 s2, s17;
	s0 =	sor.u32 s0, s3  }
0x38: {  	s4 =	simm.s32 $0x1;
	s2 =	simm.s32 @p0 $0x0;
	s3 =	smul.u32 $0x24000, s0  }
0x39: {  	s4 =	simm.s32 @!p0 $0x0;
	s5 =	sshll.u32 s2, $0x5  }
0x3a: {  	s0 =	sadd.s32 s4, s0;
	s21 =	sadd.s32 s18, s5;
	s1 =	sadd.s32 s3, s1  }
0x3b: {  	s4 =	smul.u32 $0x24000, s0;
	s3 =	sshrl.u32 s21, $0x3;
	s1 =	sshrl.u32 s1, $0x3  }
0x3c: {  	s22 =	simm.s32 $0x7800;
	s3 =	smul.u32 $0xC00, s3;
	s1 =	sadd.s32 s10, s1  }
0x3d: {  	[tilespmem:s22], [sflag:$0x1] =	stream.linear.gather [hbm4b:s1+s6], $0x3000, $0x38;
	[tilespmem:$0x1B100] =	vst v63  }
0x3e: {  	s23 =	sadd.s32 s4, s3  }
0x3f: {  	s1 =	sshrl.u32 s23, $0x3  }
0x40: {  	s24 =	simm.s32 $0xA800;
	s1 =	sadd.s32 s10, s1  }
0x41: {  	[tilespmem:s24], [sflag:$0x1] =	stream.linear.gather [hbm4b:s1+s6], $0x3000, $0x38;
	[tilespmem:$0x1B100] =	vst v63  }
0x42: {  	s1 =	sadd.s32 $0x1, s2  }
0x43: {  	p0 =	sge.s32 s1, s17  }
0x44: {  	s2 =	simm.s32 $0x1;
	s1 =	simm.s32 @p0 $0x0  }
0x45: {  	s30 =	simm.s32 $0xD800;
	s2 =	simm.s32 @!p0 $0x0;
	s25 =	sshll.u32 s1, $0x5  }
0x46: {  	s2 =	sadd.s32 s2, s0;
	s0 =	sadd.s32 $0x1, s1;
	s3 =	sadd.s32 s18, s25  }
0x47: {  	s26 =	smul.u32 $0x24000, s2;
	p0 =	sge.s32 s0, s17;
	s3 =	sshrl.u32 s3, $0x3  }
0x48: {  	s4 =	simm.s32 $0x1;
	s0 =	simm.s32 @p0 $0x0;
	s3 =	smul.u32 $0xC00, s3  }
0x49: {  	s19 =	smul.u32 $0x60, s17;
	s4 =	simm.s32 @!p0 $0x0;
	s28 =	sshll.u32 s0, $0x5  }
0x4a: {  	s1 =	sadd.s32 s4, s2;
	s29 =	sadd.s32 s18, s28;
	s3 =	sadd.s32 s26, s3  }
0x4b: {  	s4 =	smul.u32 $0x24000, s1;
	s2 =	sshrl.u32 s29, $0x3;
	s3 =	sshrl.u32 s3, $0x3  }
0x4c: {  	p0 =	slt.s32 s19, $0x1;
	s2 =	smul.u32 $0xC00, s2;
	s3 =	sadd.s32 s10, s3  }
0x4d: {  	[tilespmem:s30], [sflag:$0x1] =	stream.linear.gather [hbm4b:s3+s6], $0x3000, $0x38;
	[tilespmem:$0x1B100] =	vst v63  }
.Ltmp2:
0x4e: {  	_ = 	snop;
	(pc) =	sbr.rel @p0 .LBB2_11-.Ltmp2, $4  }
0x4f: {  	s2 =	sadd.s32 s4, s2  }
0x50: {  	s2 =	sshrl.u32 s2, $0x3  }
0x51: {  	s31 =	simm.s32 $0x10800;
	s2 =	sadd.s32 s10, s2  }
0x52: {  	[tilespmem:s31], [sflag:$0x1] =	stream.linear.gather [hbm4b:s2+s6], $0x3000, $0x38;
	[tilespmem:$0x1B100] =	vst v63  }
.Ltmp3:
0x53: {  	(pc) =	sbr.rel .LBB2_3-.Ltmp3, $4  }
0x54: {  	s21 =	sadd.s32 $0x1, s0;
	s0 =	simm.s32 $0x1;
	s23 =	rddreg [dreg:$0x6]  }
0x55: {  	s30 =	simm.s32 $0x0;
	[dreg:$0xe] =	wrdreg s17;
	p0 =	sge.s32 s21, s17  }
0x56: {  	s24 =	simm.s32 $0x0;
	[dreg:$0xf] =	wrdreg s18;
	s0 =	simm.s32 @!p0 $0x0  }
0x57: {  	[dreg:$0x10] =	wrdreg s19;
	s21 =	simm.s32 @p0 $0x0;
	s22 =	sadd.s32 s0, s1  }
.LBB2_10:
0x58: {  	s30 =	sadd.s32 $0x1, s30  }
0x59: {  	p0 =	slt.s32 s30, s17  }
0x5a: {  	s0 =	sshll.u32 @!p0 s23, $0x3  }
0x5b: {  	s0 =	sor.u32 @!p0 s11, s0  }
0x5c: {  	s0 =	smul.u32 @!p0 $0x2400, s0;
	_ =	sdelay $0x1  }
0x5d: {  	s0 =	sshrl.u32 @!p0 s0, $0x3  }
0x5e: {  	s1 =	sadd.s32 @!p0 $0x16800, s14;
	s2 =	simm.s32 @!p0 $0x0;
	s0 =	sadd.s32 @!p0 s12, s0  }
0x5f: {  	[hbm4b:s0+s2] =	stream.linear.scatter @!p0 [tilespmem:s1], [sflag:$0x2], $0x2400, $0x38;
	[tilespmem:$0x1B100] =	vst v63  }
0x60: {  	s24 =	sadd.s32 $0x1, s24;
	p1 =	sge.s32 s30, s17;
	s0 =	simm.s32 $0x1  }
0x61: {  	s0 =	simm.s32 @!p1 $0x0;
	p1 =	sne.s32 s24, s19  }
.Ltmp4:
0x62: {  	_ = 	snop;
	(pc) =	sbr.rel @!p1 .LBB2_11-.Ltmp4, $4  }
0x63: {  	s21 =	sadd.s32 $0x1, s21  }
0x64: {  	s30 =	simm.s32 @!p0 $0x0;
	p0 =	sge.s32 s21, s17;
	s1 =	simm.s32 $0x1  }
0x65: {  	s1 =	simm.s32 @!p0 $0x0  }
0x66: {  	s21 =	simm.s32 @p0 $0x0;
	s23 =	sadd.s32 s0, s23;
	s22 =	sadd.s32 s1, s22  }
.LBB2_3:
0x67: {  	s0 =	sadd.s32 $0x5, s24  }
0x68: {  	p0 =	sge.s32 s0, s19  }
0x69: {  	s1 =	smulhi.u32 @!p0 $0xAAAAAAAB, s0;
	_ =	sdelay $0x1  }
0x6a: {  	s3 =	sshll.u32 @!p0 s21, $0x5;
	s1 =	sshrl.u32 @!p0 s1, $0x2  }
0x6b: {  	s3 =	sadd.s32 @!p0 s18, s3;
	s1 =	smul.u32 @!p0 $0x6, s1  }
0x6c: {  	s4 =	smul.u32 @!p0 $0x24000, s22;
	s3 =	sshrl.u32 @!p0 s3, $0x3  }
0x6d: {  	s3 =	smul.u32 @!p0 $0xC00, s3;
	s0 =	ssub.s32 @!p0 s0, s1  }
0x6e: {  	_ =	swait.ge [sflag:s15], $0x3000;
	s0 =	smul.u32 @!p0 $0xC000, s0  }
0x6f: {  	s20 =	sshll.u32 s30, $0x6;
	[sflag:s15] =	ssyncset.done $0x0;
	s1 =	sadd.s32 @!p0 s4, s3  }
0x70: {  	[sflag:s15] =	ssyncadd.s32 $0xFFFFD000;
	s1 =	sshrl.u32 @!p0 s1, $0x3;
	s0 =	sshrl.u32 @!p0 s0, $0x2  }
0x71: {  	s3 =	simm.s32 @!p0 $0x0;
	s1 =	sadd.s32 @!p0 s10, s1;
	s0 =	sadd.s32 @!p0 $0x4800, s0  }
0x72: {  	[tilespmem:s0], [sflag:$0x1] =	stream.linear.gather @!p0 [hbm4b:s1+s3], $0x3000, $0x38;
	[tilespmem:$0x1B100] =	vst v63  }
0x73: {  	s0 =	sshra.s32 s20, $0x2  }
0x74: {  	v0 =	vld [tilespmem:s0+$0x1B000];
	_ =	sdelay $0x4  }
0x75: {  	(v2sf) =	vpush v0, $0x0  }
0x76: {  	(v2sf) =	vpush v0, $0x1  }
0x77: {  	(v2sf) =	vpush v0, $0x2  }
0x78: {  	(v2sf) =	vpush v0, $0x3;
	_ =	sdelay $0xb  }
0x79: {  	p0 =	slt.s32 s23, s13;
	s3 =	spop (v2sf)  }
0x7a: {  	p1 =	sne.s32 @!p0 s30, $0x0;
	s1 =	spop (v2sf)  }
0x7b: {  	p1 =	por p1, p0;
	s0 =	spop (v2sf)  }
0x7c: {  	s25 =	smulhi.u32 $0xAAAAAAAB, s24;
	s6 =	simm.s32 @!p1 $0x2;
	s5 =	spop (v2sf)  }
0x7d: {  	_ =	swait.ge @!p1 [sflag:s6], $0x2400  }
0x7e: {  	s4 =	sshrl.u32 s25, $0x2;
	p0 =	sge.s32 s3, s1;
	[sflag:s6] =	ssyncset.done @!p1 $0x0  }
0x7f: {  	s4 =	smul.u32 $0x6, s4;
	[sflag:s6] =	ssyncadd.s32 @!p1 $0xFFFFDC00;
	s6 =	sshll.u32 @!p0 s3, $0x4  }
0x80: {  	v0 =	vld @!p0 [tilespmem:s6+$0x0]  }
0x81: {  	s28 =	sshll.u32 s30, $0x5;
	s26 =	ssub.s32 s24, s4  }
0x82: {  	s4 =	sadd.s32 s18, s28;
	s7 =	sshll.u32 s26, $0x5  }
0x83: {  	s3 =	ssub.s32 s4, s7  }
0x84: {  	v1 =	vmov @!p0 s3  }
0x85: {  	v2 =	vld @!p0 [tilespmem:s6+$0x2400];
	v1 =	vsub.s32 @!p0 v0, v1  }
0x86: {  	vm0 =	vgt.s32 @!p0 v1, s7  }
0x87: {  	s8 =	sor.u32 @!p0 $0x1F, s7;
	v1 =	vnsel @!p0 vm0, s7, v1  }
0x88: {  	v1 =	vmin.u32 @!p0 v1, s8  }
0x89: {  	s29 =	sshrl.u32 s23, $0x1F;
	v3 =	vshrl.u32 @!p0 v1, $0x3  }
0x8a: {  	s9 =	sadd.s32 @!p0 $0x20, s4;
	v4 =	vshll.u32 @!p0 v2, $0x3;
	s8 =	sadd.s32 s29, s23;
	v3 =	vmul.u32 @!p0 $0xC00, v3  }
0x8b: {  	vm1 =	vlt.s32 @!p0 v0, s9;
	v4 =	vand.u32 @!p0 $0xFFFFFC00, v4;
	v1 =	vshll.u32 @!p0 v1, $0x7;
	s8 =	sand.u32 $0x3FFFFE, s8  }
0x8c: {  	vm0 =	vge.s32 @!p0 v0, s4;
	v0 =	vand.u32 @!p0 $0x380, v1;
	s8 =	ssub.s32 s23, s8;
	v3 =	vadd.s32 @!p0 v4, v3  }
0x8d: {  	vm0 =	vmand @!p0 vm0, vm1;
	v1 =	vand.u32 @!p0 $0x7F, v2;
	s14 =	smul.u32 $0x2400, s8;
	v0 =	vor.u32 @!p0 v0, v3  }
0x8e: {  	v0 =	vor.u32 @!p0 v1, v0  }
0x8f: {  	s8 =	sadd.s32 @!p0 s14, s6  }
0x90: {  	s6 =	sand.u32 @!p0 $0x70, s6;
	s8 =	sand.u32 @!p0 $0xFFFFFF80, s8  }
0x91: {  	s6 =	sor.u32 @!p0 s6, s8  }
0x92: {  	s9 =	simm.s32 @!p0 $0x4800;
	v1 =	vld @!p0 [tilespmem:s6+$0x16800]  }
0x93: {  	v0 =	vld.idx.msk @!p0 [tilespmem:v0+s9+$0x0], vm0;
	_ =	sdelay $0x4  }
0x94: {  	p1 =	sge.s32 s0, s5;
	v0 =	vsel @!p0 vm0, v0, v1  }
0x95: {  	s5 =	sshll.u32 @!p1 s0, $0x4;
	[tilespmem:s6+$0x16800] =	vst @!p0 v0  }
0x96: {  	v0 =	vld @!p1 [tilespmem:s5+$0x0];
	_ =	sdelay $0x3  }
0x97: {  	v1 =	vmov @!p1 s3  }
0x98: {  	v2 =	vld @!p1 [tilespmem:s5+$0x2400];
	v1 =	vsub.s32 @!p1 v0, v1  }
0x99: {  	vm0 =	vgt.s32 @!p1 v1, s7  }
0x9a: {  	s6 =	sor.u32 @!p1 $0x1F, s7;
	v1 =	vnsel @!p1 vm0, s7, v1  }
0x9b: {  	v1 =	vmin.u32 @!p1 v1, s6  }
0x9c: {  	v3 =	vshrl.u32 @!p1 v1, $0x3  }
0x9d: {  	v4 =	vshll.u32 @!p1 v2, $0x3;
	v3 =	vmul.u32 @!p1 $0xC00, v3  }
0x9e: {  	v4 =	vand.u32 @!p1 $0xFFFFFC00, v4;
	vm0 =	vge.s32 @!p1 v0, s4;
	s6 =	sadd.s32 @!p1 $0x20, s4;
	v1 =	vshll.u32 @!p1 v1, $0x7  }
0x9f: {  	p0 =	slt.s32 s1, s0;
	s4 =	smov.u32 s0;
	vm1 =	vlt.s32 @!p1 v0, s6;
	v0 =	vand.u32 @!p1 $0x380, v1;
	v3 =	vadd.s32 @!p1 v4, v3  }
0xa0: {  	s4 =	smov.u32 @p0 s1;
	vm0 =	vmand @!p1 vm0, vm1;
	v1 =	vand.u32 @!p1 $0x7F, v2;
	v0 =	vor.u32 @!p1 v0, v3  }
0xa1: {  	s7 =	sadd.s32 @!p1 s14, s5;
	s2 =	ssub.s32 s0, s4;
	v0 =	vor.u32 @!p1 v1, v0  }
0xa2: {  	s5 =	sand.u32 @!p1 $0x70, s5;
	s7 =	sand.u32 @!p1 $0xFFFFFF80, s7;
	s31 =	sshra.s32 s2, $0x1F  }
0xa3: {  	s1 =	sor.u32 @!p1 s5, s7;
	s5 =	sshrl.u32 s31, $0x1D  }
0xa4: {  	s5 =	sadd.s32 s5, s2  }
0xa5: {  	s6 =	simm.s32 @!p1 $0x4800;
	v1 =	vld @!p1 [tilespmem:s1+$0x16800];
	s5 =	sand.u32 $0xFFFFFFF8, s5  }
0xa6: {  	s20 =	sadd.s32 s4, s5;
	v0 =	vld.idx.msk @!p1 [tilespmem:v0+s6+$0x0], vm0  }
0xa7: {  	p0 =	sge.s32 s4, s20  }
.Ltmp5:
0xa8: {  	_ = 	snop;
	(pc) =	sbr.rel @p0 .LBB2_7-.Ltmp5, $3  }
0xa9: {  	_ =	sdelay $0x1  }
0xaa: {  	v0 =	vsel @!p1 vm0, v0, v1  }
0xab: {  	[tilespmem:s1+$0x16800] =	vst @!p1 v0;
	v0 =	vmov s3  }
0xac: {  	[dreg:$0x17] =	wrdreg s5  }
0xad: {  	[dreg:$0x15] =	wrdreg s0  }
0xae: {  	[dreg:$0x14] =	wrdreg s24  }
0xaf: {  	[dreg:$0x13] =	wrdreg s23  }
0xb0: {  	[dreg:$0x12] =	wrdreg s22;
	s1 =	sshll.u32 s4, $0x6  }
0xb1: {  	[dreg:$0x11] =	wrdreg s21;
	s3 =	sshll.u32 s4, $0x4;
	s1 =	sshra.s32 s1, $0x2  }
0xb2: {  	[dreg:$0x16] =	wrdreg s2;
	s21 =	sadd.s32 $0x70, s3;
	s3 =	sadd.s32 $0x40, s1  }
0xb3: {  	v1 =	vld [tilespmem:s3+$0x30]  }
0xb4: {  	s22 =	sadd.s32 $0x2440, s1;
	v2 =	vld [tilespmem:s3+$0xFFFFFFC0]  }
0xb5: {  	v3 =	vld [tilespmem:s22+$0x30]  }
0xb6: {  	v4 =	vld [tilespmem:s3+$0xFFFFFFD0]  }
0xb7: {  	v5 =	vld [tilespmem:s3+$0xFFFFFFE0]  }
0xb8: {  	v7 =	vld [tilespmem:s3+$0x0]  }
0xb9: {  	v10 =	vld [tilespmem:s3+$0x10]  }
0xba: {  	v13 =	vld [tilespmem:s3+$0x20];
	_ =	sdelay $0x2  }
0xbb: {  	v1 =	vsub.s32 v1, v0;
	v8 =	vsub.s32 v2, v0;
	v11 =	vshll.u32 v3, $0x3  }
0xbc: {  	v12 =	vsub.s32 v4, v0;
	v14 =	vsub.s32 v5, v0;
	v16 =	vsub.s32 v7, v0  }
0xbd: {  	v10 =	vsub.s32 v10, v0;
	v13 =	vsub.s32 v13, v0;
	v2 =	vshrl.u32 v1, $0x3  }
0xbe: {  	v6 =	vld [tilespmem:s3+$0xFFFFFFF0];
	v9 =	vshrl.u32 v8, $0x3;
	v4 =	vand.u32 $0xFFFFFC00, v11;
	v11 =	vshll.u32 v1, $0x7  }
0xbf: {  	v15 =	vshrl.u32 v12, $0x3;
	v7 =	vshrl.u32 v14, $0x3;
	v19 =	vshrl.u32 v16, $0x3  }
0xc0: {  	v20 =	vshrl.u32 v10, $0x3;
	v21 =	vshrl.u32 v13, $0x3;
	v27 =	vshll.u32 v8, $0x7  }
0xc1: {  	v12 =	vshll.u32 v12, $0x7;
	v14 =	vshll.u32 v14, $0x7;
	v16 =	vshll.u32 v16, $0x7  }
0xc2: {  	v10 =	vshll.u32 v10, $0x7;
	v13 =	vshll.u32 v13, $0x7;
	v2 =	vmul.u32 $0xC00, v2  }
0xc3: {  	v1 =	vld [tilespmem:s22+$0xFFFFFFC0];
	v5 =	vand.u32 $0x380, v11;
	v11 =	vsub.s32 v6, v0;
	v6 =	vand.u32 $0x7F, v3  }
0xc4: {  	v3 =	vld [tilespmem:s22+$0xFFFFFFE0];
	v9 =	vmul.u32 $0xC00, v9;
	v15 =	vmul.u32 $0xC00, v15;
	v22 =	vmul.u32 $0xC00, v7  }
0xc5: {  	v19 =	vmul.u32 $0xC00, v19;
	v7 =	vld [tilespmem:s22+$0x20];
	v20 =	vmul.u32 $0xC00, v20;
	v21 =	vmul.u32 $0xC00, v21  }
0xc6: {  	s7 =	sadd.s32 $0x8, s4;
	v60 =	vand.u32 $0x380, v27;
	v12 =	vand.u32 $0x380, v12;
	v4 =	vadd.s32 v4, v2;
	v2 =	vld [tilespmem:s22+$0xFFFFFFD0]  }
0xc7: {  	p0 =	slt.s32 s7, s20;
	s23 =	sadd.s32 s21, s14;
	v61 =	vand.u32 $0x380, v14;
	v63 =	vand.u32 $0x380, v16;
	v4 =	vor.u32 v5, v4;
	v5 =	vld [tilespmem:s22+$0x0]  }
0xc8: {  	s6 =	sadd.s32 $0xFFFFFFA0, s21;
	s8 =	sadd.s32 $0xFFFFFFB0, s21;
	s9 =	sand.u32 $0x70, s21;
	v14 =	vand.u32 $0x380, v10;
	v18 =	vshrl.u32 v11, $0x3;
	v17 =	vor.u32 v6, v4;
	v4 =	vld [tilespmem:s22+$0xFFFFFFF0]  }
0xc9: {  	s18 =	sadd.s32 $0xFFFFFFC0, s21;
	s15 =	sadd.s32 $0xFFFFFFD0, s21;
	s29 =	sadd.s32 $0xFFFFFFE0, s21;
	v16 =	vand.u32 $0x380, v13;
	v11 =	vshll.u32 v11, $0x7;
	v18 =	vmul.u32 $0xC00, v18;
	v6 =	vld [tilespmem:s22+$0x10]  }
0xca: {  	s31 =	sadd.s32 $0xFFFFFFF0, s21;
	s24 =	sadd.s32 $0xFFFFFF90, s23;
	s25 =	sand.u32 $0xFFFFFF80, s23;
	v62 =	vand.u32 $0x380, v11;
	v23 =	vshll.u32 v1, $0x3;
	v25 =	vshll.u32 v3, $0x3  }
0xcb: {  	s10 =	sadd.s32 $0xFFFFFFA0, s23;
	s11 =	sadd.s32 $0xFFFFFFB0, s23;
	s26 =	sadd.s32 $0xFFFFFFC0, s23;
	v23 =	vand.u32 $0xFFFFFC00, v23;
	v29 =	vshll.u32 v7, $0x3;
	v25 =	vand.u32 $0xFFFFFC00, v25  }
0xcc: {  	s12 =	sadd.s32 $0xFFFFFFD0, s23;
	s17 =	sadd.s32 $0xFFFFFFE0, s23;
	s28 =	sadd.s32 $0xFFFFFFF0, s23;
	v23 =	vadd.s32 v23, v9;
	v29 =	vand.u32 $0xFFFFFC00, v29;
	v24 =	vshll.u32 v2, $0x3  }
0xcd: {  	s9 =	sor.u32 s9, s25;
	s25 =	sadd.s32 $0xFFFFFF90, s21;
	s13 =	sand.u32 $0xFFFFFF80, s24;
	v22 =	vadd.s32 v25, v22;
	v11 =	vor.u32 v60, v23;
	v8 =	vshll.u32 v5, $0x3;
	v17 =	vld.idx.msk [tilespmem:v17+s16+$0x0], $0xffff  }
.Ltmp6:
0xce: {  	s19 =	sand.u32 $0xFFFFFF80, s10;
	s23 =	sand.u32 $0xFFFFFF80, s11;
	v24 =	vand.u32 $0xFFFFFC00, v24;
	v26 =	vshll.u32 v4, $0x3;
	v28 =	vshll.u32 v6, $0x3;
	(pc) =	sbr.rel @!p0 .LBB2_6-.Ltmp6, $4  }
0xcf: {  	s5 =	sand.u32 $0xFFFFFF80, s26;
	s4 =	sand.u32 $0xFFFFFF80, s12;
	s1 =	sand.u32 $0xFFFFFF80, s17;
	v8 =	vand.u32 $0xFFFFFC00, v8;
	v15 =	vadd.s32 v24, v15;
	v26 =	vand.u32 $0xFFFFFC00, v26  }
0xd0: {  	s11 =	sand.u32 $0xFFFFFF80, s28;
	s24 =	sand.u32 $0x70, s8;
	s12 =	sand.u32 $0x70, s15;
	v28 =	vand.u32 $0xFFFFFC00, v28;
	v19 =	vadd.s32 v8, v19;
	v8 =	vadd.s32 v29, v21  }
0xd1: {  	s10 =	sand.u32 $0x70, s29;
	s17 =	sand.u32 $0x70, s31;
	s8 =	sadd.s32 $0x80, s3;
	v10 =	vor.u32 v12, v15;
	v15 =	vor.u32 v61, v22;
	v18 =	vadd.s32 v26, v18  }
0xd2: {  	s26 =	sand.u32 $0x70, s25;
	s25 =	sand.u32 $0x70, s6;
	s6 =	sand.u32 $0x70, s18;
	v9 =	vadd.s32 v28, v20;
	v12 =	vor.u32 v63, v19;
	v13 =	vor.u32 v62, v18;
	[tilespmem:s9+$0x16800] =	vst v17  }
.LBB2_5:
0xd3: {  	v17 =	vld [tilespmem:s8+$0x30];
	s7 =	sadd.s32 $0x8, s7;
	v1 =	vand.u32 $0x7F, v1;
	s13 =	sor.u32 s26, s13;
	s19 =	sor.u32 s25, s19;
	v9 =	vor.u32 v14, v9;
	v8 =	vor.u32 v16, v8  }
0xd4: {  	v2 =	vand.u32 $0x7F, v2;
	v3 =	vand.u32 $0x7F, v3;
	s3 =	sor.u32 s24, s23;
	v4 =	vand.u32 $0x7F, v4;
	s22 =	sadd.s32 $0x80, s22;
	v14 =	vld [tilespmem:s8+$0xFFFFFFC0];
	p0 =	slt.s32 s7, s20  }
0xd5: {  	s6 =	sor.u32 s6, s5;
	v5 =	vand.u32 $0x7F, v5;
	s12 =	sor.u32 s12, s4;
	v6 =	vand.u32 $0x7F, v6;
	s10 =	sor.u32 s10, s1;
	v7 =	vand.u32 $0x7F, v7;
	v16 =	vld [tilespmem:s22+$0x30]  }
0xd6: {  	s9 =	sor.u32 s17, s11;
	v11 =	vor.u32 v1, v11;
	v10 =	vor.u32 v2, v10;
	v15 =	vor.u32 v3, v15;
	v18 =	vld [tilespmem:s8+$0xFFFFFFD0]  }
0xd7: {  	v13 =	vor.u32 v4, v13;
	v12 =	vor.u32 v5, v12;
	v9 =	vor.u32 v6, v9;
	v2 =	vld [tilespmem:s8+$0xFFFFFFE0]  }
0xd8: {  	v8 =	vor.u32 v7, v8;
	v3 =	vld [tilespmem:s8+$0xFFFFFFF0];
	v1 =	vsub.s32 v17, v0  }
0xd9: {  	v14 =	vsub.s32 v14, v0;
	v4 =	vld [tilespmem:s8+$0x0];
	v5 =	vshrl.u32 v1, $0x3  }
0xda: {  	v6 =	vshrl.u32 v14, $0x3;
	v7 =	vld [tilespmem:s8+$0x10];
	v5 =	vmul.u32 $0xC00, v5;
	v17 =	vshll.u32 v16, $0x3  }
0xdb: {  	v20 =	vshll.u32 v1, $0x7;
	v18 =	vsub.s32 v18, v0;
	v19 =	vld [tilespmem:s8+$0x20];
	v17 =	vand.u32 $0xFFFFFC00, v17  }
0xdc: {  	v1 =	vld [tilespmem:s22+$0xFFFFFFC0];
	v21 =	vsub.s32 v2, v0;
	v5 =	vadd.s32 v17, v5;
	v17 =	vand.u32 $0x380, v20  }
0xdd: {  	v16 =	vand.u32 $0x7F, v16;
	v2 =	vld [tilespmem:s22+$0xFFFFFFD0];
	v20 =	vsub.s32 v3, v0;
	v5 =	vor.u32 v17, v5  }
0xde: {  	v17 =	vshrl.u32 v18, $0x3;
	v3 =	vld [tilespmem:s22+$0xFFFFFFE0];
	v22 =	vsub.s32 v4, v0;
	v16 =	vor.u32 v16, v5  }
0xdf: {  	v23 =	vshrl.u32 v21, $0x3;
	v24 =	vshrl.u32 v20, $0x3;
	v4 =	vld [tilespmem:s22+$0xFFFFFFF0];
	v25 =	vsub.s32 v7, v0  }
0xe0: {  	v7 =	vshrl.u32 v22, $0x3;
	v5 =	vld [tilespmem:s22+$0x0];
	v26 =	vshrl.u32 v25, $0x3;
	v19 =	vsub.s32 v19, v0  }
0xe1: {  	v27 =	vmul.u32 $0xC00, v6;
	v17 =	vmul.u32 $0xC00, v17;
	v6 =	vld [tilespmem:s22+$0x10];
	v28 =	vshrl.u32 v19, $0x3  }
0xe2: {  	v23 =	vmul.u32 $0xC00, v23;
	v24 =	vmul.u32 $0xC00, v24;
	v29 =	vmul.u32 $0xC00, v7;
	v7 =	vld [tilespmem:s22+$0x20]  }
0xe3: {  	v30 =	vshll.u32 v1, $0x3;
	v26 =	vmul.u32 $0xC00, v26;
	v28 =	vmul.u32 $0xC00, v28;
	v16 =	vld.idx.msk [tilespmem:v16+s16+$0x0], $0xffff  }
0xe4: {  	s21 =	sadd.s32 $0x80, s21;
	v31 =	vshll.u32 v2, $0x3;
	v32 =	vshll.u32 v3, $0x3;
	v33 =	vshll.u32 v4, $0x3;
	v11 =	vld.idx.msk [tilespmem:v11+s16+$0x0], $0xffff  }
0xe5: {  	s0 =	sadd.s32 s21, s14;
	v14 =	vshll.u32 v14, $0x7;
	v30 =	vand.u32 $0xFFFFFC00, v30;
	v34 =	vshll.u32 v5, $0x3;
	v10 =	vld.idx.msk [tilespmem:v10+s16+$0x0], $0xffff  }
0xe6: {  	s11 =	sadd.s32 $0xFFFFFFA0, s21;
	s17 =	sadd.s32 $0xFFFFFFB0, s21;
	s5 =	sand.u32 $0x70, s21;
	v18 =	vshll.u32 v18, $0x7;
	v31 =	vand.u32 $0xFFFFFC00, v31;
	v35 =	vshll.u32 v6, $0x3;
	v15 =	vld.idx.msk [tilespmem:v15+s16+$0x0], $0xffff  }
0xe7: {  	s29 =	sadd.s32 $0xFFFFFFC0, s21;
	s1 =	sadd.s32 $0xFFFFFF90, s0;
	s4 =	sand.u32 $0xFFFFFF80, s0;
	v21 =	vshll.u32 v21, $0x7;
	v32 =	vand.u32 $0xFFFFFC00, v32;
	v36 =	vshll.u32 v7, $0x3;
	v13 =	vld.idx.msk [tilespmem:v13+s16+$0x0], $0xffff  }
0xe8: {  	s15 =	sadd.s32 $0xFFFFFFA0, s0;
	s18 =	sadd.s32 $0xFFFFFFB0, s0;
	s4 =	sor.u32 s5, s4;
	v20 =	vshll.u32 v20, $0x7;
	v33 =	vand.u32 $0xFFFFFC00, v33;
	v34 =	vand.u32 $0xFFFFFC00, v34;
	v12 =	vld.idx.msk [tilespmem:v12+s16+$0x0], $0xffff  }
0xe9: {  	s24 =	sadd.s32 $0xFFFFFFD0, s0;
	s25 =	sadd.s32 $0xFFFFFFE0, s0;
	s5 =	sadd.s32 $0xFFFFFFC0, s0;
	v22 =	vshll.u32 v22, $0x7;
	v25 =	vshll.u32 v25, $0x7;
	v35 =	vand.u32 $0xFFFFFC00, v35;
	[tilespmem:s4+$0x16800] =	vst v16;
	v37 =	vld.idx.msk [tilespmem:v9+s16+$0x0], $0xffff  }
0xea: {  	s2 =	sadd.s32 $0xFFFFFFD0, s21;
	s26 =	sadd.s32 $0xFFFFFF90, s21;
	s0 =	sadd.s32 $0xFFFFFFF0, s0;
	v19 =	vshll.u32 v19, $0x7;
	v16 =	vadd.s32 v30, v27;
	v27 =	vand.u32 $0xFFFFFC00, v36;
	[tilespmem:s13+$0x16800] =	vst v11;
	v30 =	vld.idx.msk [tilespmem:v8+s16+$0x0], $0xffff  }
0xeb: {  	s31 =	sadd.s32 $0xFFFFFFE0, s21;
	s28 =	sadd.s32 $0xFFFFFFF0, s21;
	s23 =	sand.u32 $0xFFFFFF80, s18;
	v17 =	vadd.s32 v31, v17;
	v23 =	vadd.s32 v32, v23;
	v24 =	vadd.s32 v33, v24;
	[tilespmem:s19+$0x16800] =	vst v10  }
.Ltmp7:
0xec: {  	v29 =	vadd.s32 v34, v29;
	v9 =	vadd.s32 v35, v26;
	s13 =	sand.u32 $0xFFFFFF80, s1;
	v8 =	vadd.s32 v27, v28;
	s19 =	sand.u32 $0xFFFFFF80, s15;
	[tilespmem:s3+$0x16800] =	vst v15;
	(pc) =	sbr.rel @p0 .LBB2_5-.Ltmp7, $4  }
0xed: {  	s5 =	sand.u32 $0xFFFFFF80, s5;
	s4 =	sand.u32 $0xFFFFFF80, s24;
	s1 =	sand.u32 $0xFFFFFF80, s25;
	v10 =	vand.u32 $0x380, v14;
	v15 =	vand.u32 $0x380, v18;
	v18 =	vand.u32 $0x380, v21;
	[tilespmem:s6+$0x16800] =	vst v13  }
0xee: {  	s26 =	sand.u32 $0x70, s26;
	s25 =	sand.u32 $0x70, s11;
	s11 =	sand.u32 $0xFFFFFF80, s0;
	v14 =	vand.u32 $0x380, v25;
	v13 =	vand.u32 $0x380, v20;
	v20 =	vand.u32 $0x380, v22;
	[tilespmem:s12+$0x16800] =	vst v12  }
0xef: {  	s24 =	sand.u32 $0x70, s17;
	v11 =	vor.u32 v10, v16;
	v16 =	vand.u32 $0x380, v19;
	v10 =	vor.u32 v15, v17;
	s6 =	sand.u32 $0x70, s29;
	s12 =	sand.u32 $0x70, s2;
	[tilespmem:s10+$0x16800] =	vst v37  }
0xf0: {  	s8 =	sadd.s32 $0x80, s8;
	s17 =	sand.u32 $0x70, s28;
	v15 =	vor.u32 v18, v23;
	v13 =	vor.u32 v13, v24;
	v12 =	vor.u32 v20, v29;
	s10 =	sand.u32 $0x70, s31;
	[tilespmem:s9+$0x16800] =	vst v30  }
.LBB2_6:
0xf1: {  	v1 =	vand.u32 $0x7F, v1  }
0xf2: {  	v2 =	vand.u32 $0x7F, v2;
	v1 =	vor.u32 v1, v11  }
0xf3: {  	v3 =	vand.u32 $0x7F, v3;
	v2 =	vor.u32 v2, v10  }
0xf4: {  	v4 =	vand.u32 $0x7F, v4;
	v3 =	vor.u32 v3, v15  }
0xf5: {  	v5 =	vand.u32 $0x7F, v5;
	v4 =	vor.u32 v4, v13  }
0xf6: {  	v9 =	vor.u32 v14, v9;
	v6 =	vand.u32 $0x7F, v6;
	v5 =	vor.u32 v5, v12  }
0xf7: {  	v8 =	vor.u32 v16, v8;
	v7 =	vand.u32 $0x7F, v7;
	v6 =	vor.u32 v6, v9;
	v1 =	vld.idx.msk [tilespmem:v1+s16+$0x0], $0xffff  }
0xf8: {  	v7 =	vor.u32 v7, v8;
	v2 =	vld.idx.msk [tilespmem:v2+s16+$0x0], $0xffff  }
0xf9: {  	v3 =	vld.idx.msk [tilespmem:v3+s16+$0x0], $0xffff  }
0xfa: {  	v4 =	vld.idx.msk [tilespmem:v4+s16+$0x0], $0xffff  }
0xfb: {  	s0 =	sor.u32 s26, s13;
	v5 =	vld.idx.msk [tilespmem:v5+s16+$0x0], $0xffff  }
0xfc: {  	s2 =	sor.u32 s25, s19;
	v6 =	vld.idx.msk [tilespmem:v6+s16+$0x0], $0xffff;
	[tilespmem:s0+$0x16800] =	vst v1  }
0xfd: {  	s26 =	sor.u32 s24, s23;
	v1 =	vld.idx.msk [tilespmem:v7+s16+$0x0], $0xffff;
	[tilespmem:s2+$0x16800] =	vst v2  }
0xfe: {  	s28 =	sor.u32 s6, s5;
	[tilespmem:s26+$0x16800] =	vst v3  }
0xff: {  	s29 =	sor.u32 s12, s4;
	[tilespmem:s28+$0x16800] =	vst v4  }
0x100: {  	s1 =	sor.u32 s10, s1;
	[tilespmem:s29+$0x16800] =	vst v5  }
0x101: {  	s31 =	sor.u32 s17, s11;
	[tilespmem:s1+$0x16800] =	vst v6  }
0x102: {  	s10 =	rddreg [dreg:$0x0];
	[tilespmem:s31+$0x16800] =	vst v1  }
0x103: {  	s11 =	rddreg [dreg:$0x4]  }
0x104: {  	s12 =	rddreg [dreg:$0x5]  }
0x105: {  	s13 =	rddreg [dreg:$0xb]  }
0x106: {  	s17 =	rddreg [dreg:$0xe]  }
0x107: {  	s18 =	rddreg [dreg:$0xf]  }
0x108: {  	s19 =	rddreg [dreg:$0x10]  }
0x109: {  	s21 =	rddreg [dreg:$0x11]  }
0x10a: {  	s22 =	rddreg [dreg:$0x12]  }
0x10b: {  	s23 =	rddreg [dreg:$0x13]  }
0x10c: {  	s24 =	rddreg [dreg:$0x14]  }
0x10d: {  	s0 =	rddreg [dreg:$0x15]  }
0x10e: {  	s2 =	rddreg [dreg:$0x16]  }
0x10f: {  	s15 =	simm.s32 $0x1;
	s5 =	rddreg [dreg:$0x17]  }
.LBB2_7:
0x110: {  	p0 =	sge.s32 s20, s0  }
.Ltmp8:
0x111: {  	_ = 	snop;
	(pc) =	sbr.rel @p0 .LBB2_10-.Ltmp8, $1  }
0x112: {  	_ =	sdelay $0x3  }
0x113: {  	s1 =	ssub.s32 s2, s5  }
0x114: {  	s3 =	sshll.u32 s0, $0x6;
	s4 =	sshll.u32 s1, $0x6  }
0x115: {  	s3 =	ssub.s32 s3, s4  }
0x116: {  	s31 =	sshll.u32 s0, $0x4;
	s5 =	sshll.u32 s1, $0x4;
	s0 =	sshra.s32 s3, $0x2  }
0x117: {  	s3 =	ssub.s32 s31, s5;
	s4 =	sadd.s32 $0x2400, s0  }
.LBB2_9:
0x118: {  	v1 =	vld [tilespmem:s0+$0x0];
	_ =	sdelay $0x1  }
0x119: {  	v2 =	vld [tilespmem:s4+$0x0];
	_ =	sdelay $0x2  }
0x11a: {  	v1 =	vsub.s32 v1, v0  }
0x11b: {  	v3 =	vshrl.u32 v1, $0x3  }
0x11c: {  	v4 =	vshll.u32 v2, $0x3;
	v3 =	vmul.u32 $0xC00, v3  }
0x11d: {  	v4 =	vand.u32 $0xFFFFFC00, v4;
	v1 =	vshll.u32 v1, $0x7  }
0x11e: {  	v1 =	vand.u32 $0x380, v1;
	v3 =	vadd.s32 v4, v3  }
0x11f: {  	v2 =	vand.u32 $0x7F, v2;
	v1 =	vor.u32 v1, v3  }
0x120: {  	v1 =	vor.u32 v2, v1;
	_ =	sdelay $0x4  }
0x121: {  	p0 =	sne.s32 s1, $0x1;
	v1 =	vld.idx.msk [tilespmem:v1+s16+$0x0], $0xffff  }
.Ltmp9:
0x122: {  	_ = 	snop;
	(pc) =	sbr.rel @p0 .LBB2_9-.Ltmp9, $4  }
0x123: {  	s2 =	sadd.s32 s3, s14  }
0x124: {  	s5 =	sand.u32 $0x70, s3;
	s2 =	sand.u32 $0xFFFFFF80, s2  }
0x125: {  	s3 =	sadd.s32 $0x10, s3;
	s2 =	sor.u32 s5, s2  }
0x126: {  	s0 =	sadd.s32 $0x10, s0;
	s4 =	sadd.s32 $0x10, s4;
	s1 =	sadd.s32 $0xFFFFFFFF, s1;
	[tilespmem:s2+$0x16800] =	vst v1  }
.Ltmp10:
0x127: {  	_ = 	snop;
	(pc) =	sbr.rel .LBB2_10-.Ltmp10, $1  }
0x128: {  	_ =	sdelay $0x3  }
.LBB2_12:
0x129: {  	_ =	sfence.sel $0x180000  }
0x12a: {  	[bflag:$0x0] =	sbarrier.arrive $0xFFFF  }
0x12b: {  	_ =	strace $0x90000047  }
0x12c: {  	s0 =	stileid.u32;
	[bflag:$0x2] =	sbarrier.arrive $0xFFFF  }
0x12d: {  	p0 =	sne.s32 s0, $0x0;
	s0 =	rddreg [dreg:$0x3]  }
0x12e: {  	s0 =	sadd.s32 @!p0 $0x100000, s0  }
0x12f: {  	[sflag:s0] =	ssyncadd.tile.s32 @!p0 $0x1;
	_ =	shalt  }
.Lfunc_end2:
_tile_overlayer_lowered:
.L_overlay_start_2:
0x130: {  	(tag) =	ssettag $0x2  }
0x131: {  	s0 =	rddreg [dreg:$0x0];
	s2 =	stileid.u32  }
0x132: {  	s1 =	rddreg [dreg:$0x1];
	p0 =	sne.s32 s2, $0x0  }
0x133: {  	s3 =	rddreg [dreg:$0x2];
	[bflag:$0x3] =	sbarrier.arrive $0xFFFF;
	s2 =	simm.s32 @!p0 $0x1C03  }
0x134: {  	[timem:s3], [sflag:s2] =	dma.local @!p0 [hbm:s0], s1  }
0x135: {  	s0 =	simm.s32 @!p0 $0x3  }
0x136: {  	_ =	swait.ge @!p0 [sflag:s0], s1  }
0x137: {  	s1 =	ssub.s32 @!p0 $0x0, s1;
	[sflag:s0] =	ssyncset.done @!p0 $0x0  }
0x138: {  	[sflag:s0] =	ssyncadd.s32 @!p0 s1  }
0x139: {  	[bflag:$0x3] =	sbarrier.arrive $0xFFFF  }
0x13a: {  	_ =	shalt  }

</sc_bundles>
